<compile_context>
chip_gen: v7x
topology: tpu7x:2x2x1
jax: 0.10.2.dev20260603
libtpu: 0.0.44.dev20260713+nightly
codegen_flags: <defaults>
</compile_context>

<pallas_src>
import functools

import jax
import jax.numpy as jnp
from jax import lax
from jax.experimental import pallas as pl
from jax.experimental.pallas import tpu as pltpu
from jax.experimental.pallas import tpu_sc as plsc

BATCH = 4096
HIST = 50
EMBED = 32
WINDOW = 400
NBUF = 6
AHEAD = 3


@functools.lru_cache(maxsize=None)
def _make_gather():
    info = plsc.get_sparse_core_info()
    nc, ns, nl = info.num_cores, info.num_subcores, info.num_lanes
    nw = nc * ns
    total = BATCH * HIST
    b_per_w = total // nw
    n_win = b_per_w // WINDOW

    mesh = plsc.VectorSubcoreMesh(core_axis_name="c", subcore_axis_name="s")

    @functools.partial(
        pl.kernel,
        mesh=mesh,
        out_type=jax.ShapeDtypeStruct((total, EMBED), jnp.float32),
        scratch_types=[
            pltpu.VMEM((b_per_w,), jnp.int32),
            pltpu.VMEM((NBUF, WINDOW, EMBED), jnp.float32),
            pltpu.SemaphoreType.DMA((2,)),
            pltpu.SemaphoreType.DMA((NBUF,)),
        ],
        compiler_params=pltpu.CompilerParams(use_tc_tiling_on_sc=False),
    )
    def gather_kernel(idx_hbm, table_hbm, out_hbm, idx_v, rows, gsem, ssem):
        wid = lax.axis_index("s") * nc + lax.axis_index("c")
        base = wid * b_per_w
        pltpu.sync_copy(idx_hbm.at[pl.ds(base, b_per_w)], idx_v)

        def enqueue_window(w):
            b = w % NBUF
            pltpu.async_copy(
                table_hbm.at[idx_v.at[pl.ds(w * WINDOW, WINDOW)]],
                rows.at[b],
                gsem.at[w % 2],
            )

        def drain_window(w):
            pltpu.make_async_copy(
                table_hbm.at[pl.ds(0, WINDOW)], rows.at[0], gsem.at[w % 2]
            ).wait()

        def out_slot(w):
            return out_hbm.at[pl.ds(base + w * WINDOW, WINDOW)]

        def store_start(w):
            b = w % NBUF
            pltpu.async_copy(rows.at[b], out_slot(w), ssem.at[b])

        def store_wait(w):
            b = w % NBUF
            pltpu.make_async_copy(rows.at[b], out_slot(w), ssem.at[b]).wait()

        for w in range(AHEAD):
            enqueue_window(w)
        for w in range(n_win):
            drain_window(w)
            store_start(w)
            nxt = w + AHEAD
            if nxt < n_win:
                if nxt >= NBUF:
                    store_wait(nxt - NBUF)
                enqueue_window(nxt)
        for w in range(n_win - NBUF, n_win):
            store_wait(w)

    return gather_kernel, nw


def kernel(x, table):
    gather_fn, nw = _make_gather()
    idx = x.reshape(-1).astype(jnp.int32)
    out = gather_fn(idx, table)
    return out.reshape(BATCH, HIST, EMBED)

# --- scband reference (transcript-rebuilt; emitter-appended) ---
"""Pipeline reference for scband-embedding-layer-38500086841868 (READ-ONLY COPY).

The authoritative reference and input builder live on the scoring server;
editing this copy changes nothing except your own understanding.
"""

import jax, jax.numpy as jnp
import numpy as np

VOCAB = 1000000
EMBED_DIM = 32
BATCH = 4096
HIST = 50

def setup_inputs(seed: int = 0) -> dict:
    key = jax.random.key(seed)
    k1, k2 = jax.random.split(key)
    x = jax.random.randint(k1, (BATCH, HIST), 0, VOCAB, dtype=jnp.int64 if jax.config.jax_enable_x64 else jnp.int32)
    table = jax.random.normal(k2, (VOCAB, EMBED_DIM), dtype=jnp.float32) * 0.02
    return {"x": x, "table": table}

def reference(x, table):
    # torch: if len(x.size()) == 2 -> embedding lookup; else matmul with weight
    if x.ndim == 2:
        y = jnp.take(table, x, axis=0)
    else:
        y = jnp.matmul(x, table)
    return y

if __name__ == "__main__":
    import jax
    _d = setup_inputs()
    print(jax.jit(kernel)(*tuple(_d.values())))

</pallas_src>

<mosaic_0001>
#map = affine_map<(d0, d1) -> (0)>
#map1 = affine_map<(d0, d1) -> (0, 0)>
module attributes {stable_mosaic.version = 14 : i64} {
  func.func @gather_kernel(%arg0: i32, %arg1: i32, %arg2: memref<204800xi32, #tpu.memory_space<hbm>>, %arg3: memref<1000000x32xf32, #tpu.memory_space<hbm>>, %arg4: memref<204800x32xf32, #tpu.memory_space<hbm>>, %arg5: memref<6400xi32, #tpu.memory_space<vmem>>, %arg6: memref<6x400x32xf32, #tpu.memory_space<vmem>>, %arg7: memref<2x!tpu.dma_semaphore, #tpu.memory_space<semaphore_mem>>, %arg8: memref<6x!tpu.dma_semaphore, #tpu.memory_space<semaphore_mem>>) attributes {dimension_semantics = [#tpu.dimension_semantics<core_parallel>, #tpu.dimension_semantics<subcore_parallel>], iteration_bounds = array<i64: 2, 16>, scalar_prefetch = 0 : i64, scratch_operands = 4 : i64, tpu.core_type = #tpu.core_type<sc_vector_subcore>, window_params = [{transform_indices = #map}, {transform_indices = #map1}, {transform_indices = #map1}]} {
    %mul3A = arith.constant 2 : i32
    %mul3A_0 = arith.muli %arg1, %mul3A : i32
    %add3A = arith.addi %mul3A_0, %arg0 : i32
    %mul3A_1 = arith.constant 6400 : i32
    %mul3A_2 = arith.muli %add3A, %mul3A_1 : i32
    "tpu.region"() ({
      %run_scoped3A = tpu.sem_alloc : memref<!tpu.dma_semaphore, #tpu.memory_space<semaphore_mem>>
      %dma_start3A_1073 = tpu.memref_slice %arg2[%mul3A_2] : memref<204800xi32, #tpu.memory_space<hbm>> -> memref<6400xi32, #tpu.memory_space<hbm>>
      %dma_start3A_1074 = tpu.memref_slice %arg2[%mul3A_2] : memref<204800xi32, #tpu.memory_space<hbm>> -> memref<6400xi32, #tpu.memory_space<hbm>>
      tpu.enqueue_dma source(%dma_start3A_1074 : memref<6400xi32, #tpu.memory_space<hbm>>) target(%arg5 : memref<6400xi32, #tpu.memory_space<vmem>>) target_semaphore(%run_scoped3A : memref<!tpu.dma_semaphore, #tpu.memory_space<semaphore_mem>>)
      %dma_wait3A_1075 = tpu.memref_slice %arg2[%mul3A_2] : memref<204800xi32, #tpu.memory_space<hbm>> -> memref<6400xi32, #tpu.memory_space<hbm>>
      %dma_wait3A_1076 = tpu.memref_slice %arg2[%mul3A_2] : memref<204800xi32, #tpu.memory_space<hbm>> -> memref<6400xi32, #tpu.memory_space<hbm>>
      tpu.wait_dma2 semaphore(%run_scoped3A : memref<!tpu.dma_semaphore, #tpu.memory_space<semaphore_mem>>) src(%dma_wait3A_1076 : memref<6400xi32, #tpu.memory_space<hbm>>) dst(%arg5 : memref<6400xi32, #tpu.memory_space<vmem>>)
      tpu.yield
    }) : () -> ()
    %dma_start3A = arith.constant 0 : i32
    %dma_start3A_3 = arith.constant 0 : i32
    %dma_start3A_4 = arith.constant 0 : i32
    %dma_start3A_5 = arith.constant 0 : i32
    %dma_start3A_6 = tpu.memref_slice %arg6[%dma_start3A, %dma_start3A_4, %dma_start3A_5] : memref<6x400x32xf32, #tpu.memory_space<vmem>> -> memref<1x400x32xf32, #tpu.memory_space<vmem>>
    %dma_start3A_7 = tpu.memref_squeeze %dma_start3A_6 : memref<1x400x32xf32, #tpu.memory_space<vmem>> -> memref<400x32xf32, #tpu.memory_space<vmem>>
    %dma_start3A_8 = arith.constant 0 : i32
    %dma_start3A_9 = tpu.memref_slice %arg5[%dma_start3A_8] : memref<6400xi32, #tpu.memory_space<vmem>> -> memref<400xi32, #tpu.memory_space<vmem>>
    %dma_start3A_10 = arith.constant 0 : i32
    %dma_start3A_11 = arith.constant 0 : i32
    %dma_start3A_12 = tpu.memref_slice %arg3[%dma_start3A_10, %dma_start3A_11] : memref<1000000x32xf32, #tpu.memory_space<hbm>> -> memref<1000000x32xf32, #tpu.memory_space<hbm>>
    %dma_start3A_13 = tpu.memref_slice %arg7[%dma_start3A_3] : memref<2x!tpu.dma_semaphore, #tpu.memory_space<semaphore_mem>> -> memref<1x!tpu.dma_semaphore, #tpu.memory_space<semaphore_mem>>
    %dma_start3A_14 = tpu.memref_squeeze %dma_start3A_13 : memref<1x!tpu.dma_semaphore, #tpu.memory_space<semaphore_mem>> -> memref<!tpu.dma_semaphore, #tpu.memory_space<semaphore_mem>>
    tpu.enqueue_indirect_dma source(%dma_start3A_12 : memref<1000000x32xf32, #tpu.memory_space<hbm>>) target(%dma_start3A_7 : memref<400x32xf32, #tpu.memory_space<vmem>>) offsets(%dma_start3A_9 : memref<400xi32, #tpu.memory_space<vmem>>) semaphore(%dma_start3A_14 : memref<!tpu.dma_semaphore, #tpu.memory_space<semaphore_mem>>)
    %dma_start3A_15 = arith.constant 1 : i32
    %dma_start3A_16 = arith.constant 1 : i32
    %dma_start3A_17 = arith.constant 0 : i32
    %dma_start3A_18 = arith.constant 0 : i32
    %dma_start3A_19 = tpu.memref_slice %arg6[%dma_start3A_15, %dma_start3A_17, %dma_start3A_18] : memref<6x400x32xf32, #tpu.memory_space<vmem>> -> memref<1x400x32xf32, #tpu.memory_space<vmem>>
    %dma_start3A_20 = tpu.memref_squeeze %dma_start3A_19 : memref<1x400x32xf32, #tpu.memory_space<vmem>> -> memref<400x32xf32, #tpu.memory_space<vmem>>
    %dma_start3A_21 = arith.constant 400 : i32
    %dma_start3A_22 = tpu.memref_slice %arg5[%dma_start3A_21] : memref<6400xi32, #tpu.memory_space<vmem>> -> memref<400xi32, #tpu.memory_space<vmem>>
    %dma_start3A_23 = arith.constant 0 : i32
    %dma_start3A_24 = arith.constant 0 : i32
    %dma_start3A_25 = tpu.memref_slice %arg3[%dma_start3A_23, %dma_start3A_24] : memref<1000000x32xf32, #tpu.memory_space<hbm>> -> memref<1000000x32xf32, #tpu.memory_space<hbm>>
    %dma_start3A_26 = tpu.memref_slice %arg7[%dma_start3A_16] : memref<2x!tpu.dma_semaphore, #tpu.memory_space<semaphore_mem>> -> memref<1x!tpu.dma_semaphore, #tpu.memory_space<semaphore_mem>>
    %dma_start3A_27 = tpu.memref_squeeze %dma_start3A_26 : memref<1x!tpu.dma_semaphore, #tpu.memory_space<semaphore_mem>> -> memref<!tpu.dma_semaphore, #tpu.memory_space<semaphore_mem>>
    tpu.enqueue_indirect_dma source(%dma_start3A_25 : memref<1000000x32xf32, #tpu.memory_space<hbm>>) target(%dma_start3A_20 : memref<400x32xf32, #tpu.memory_space<vmem>>) offsets(%dma_start3A_22 : memref<400xi32, #tpu.memory_space<vmem>>) semaphore(%dma_start3A_27 : memref<!tpu.dma_semaphore, #tpu.memory_space<semaphore_mem>>)
    %dma_start3A_28 = arith.constant 2 : i32
    %dma_start3A_29 = arith.constant 0 : i32
    %dma_start3A_30 = arith.constant 0 : i32
    %dma_start3A_31 = arith.constant 0 : i32
    %dma_start3A_32 = tpu.memref_slice %arg6[%dma_start3A_28, %dma_start3A_30, %dma_start3A_31] : memref<6x400x32xf32, #tpu.memory_space<vmem>> -> memref<1x400x32xf32, #tpu.memory_space<vmem>>
    %dma_start3A_33 = tpu.memref_squeeze %dma_start3A_32 : memref<1x400x32xf32, #tpu.memory_space<vmem>> -> memref<400x32xf32, #tpu.memory_space<vmem>>
    %dma_start3A_34 = arith.constant 800 : i32
    %dma_start3A_35 = tpu.memref_slice %arg5[%dma_start3A_34] : memref<6400xi32, #tpu.memory_space<vmem>> -> memref<400xi32, #tpu.memory_space<vmem>>
    %dma_start3A_36 = arith.constant 0 : i32
    %dma_start3A_37 = arith.constant 0 : i32
    %dma_start3A_38 = tpu.memref_slice %arg3[%dma_start3A_36, %dma_start3A_37] : memref<1000000x32xf32, #tpu.memory_space<hbm>> -> memref<1000000x32xf32, #tpu.memory_space<hbm>>
    %dma_start3A_39 = tpu.memref_slice %arg7[%dma_start3A_29] : memref<2x!tpu.dma_semaphore, #tpu.memory_space<semaphore_mem>> -> memref<1x!tpu.dma_semaphore, #tpu.memory_space<semaphore_mem>>
    %dma_start3A_40 = tpu.memref_squeeze %dma_start3A_39 : memref<1x!tpu.dma_semaphore, #tpu.memory_space<semaphore_mem>> -> memref<!tpu.dma_semaphore, #tpu.memory_space<semaphore_mem>>
    tpu.enqueue_indirect_dma source(%dma_start3A_38 : memref<1000000x32xf32, #tpu.memory_space<hbm>>) target(%dma_start3A_33 : memref<400x32xf32, #tpu.memory_space<vmem>>) offsets(%dma_start3A_35 : memref<400xi32, #tpu.memory_space<vmem>>) semaphore(%dma_start3A_40 : memref<!tpu.dma_semaphore, #tpu.memory_space<semaphore_mem>>)
    %dma_wait3A = arith.constant 0 : i32
    %dma_wait3A_41 = arith.constant 0 : i32
    %dma_wait3A_42 = arith.constant 0 : i32
    %dma_wait3A_43 = arith.constant 0 : i32
    %dma_wait3A_44 = tpu.memref_slice %arg6[%dma_wait3A, %dma_wait3A_42, %dma_wait3A_43] : memref<6x400x32xf32, #tpu.memory_space<vmem>> -> memref<1x400x32xf32, #tpu.memory_space<vmem>>
    %dma_wait3A_45 = tpu.memref_squeeze %dma_wait3A_44 : memref<1x400x32xf32, #tpu.memory_space<vmem>> -> memref<400x32xf32, #tpu.memory_space<vmem>>
    %dma_wait3A_46 = arith.constant 0 : i32
    %dma_wait3A_47 = arith.constant 0 : i32
    %dma_wait3A_48 = tpu.memref_slice %arg3[%dma_wait3A_46, %dma_wait3A_47] : memref<1000000x32xf32, #tpu.memory_space<hbm>> -> memref<400x32xf32, #tpu.memory_space<hbm>>
    %dma_wait3A_49 = tpu.memref_slice %arg7[%dma_wait3A_41] : memref<2x!tpu.dma_semaphore, #tpu.memory_space<semaphore_mem>> -> memref<1x!tpu.dma_semaphore, #tpu.memory_space<semaphore_mem>>
    %dma_wait3A_50 = tpu.memref_squeeze %dma_wait3A_49 : memref<1x!tpu.dma_semaphore, #tpu.memory_space<semaphore_mem>> -> memref<!tpu.dma_semaphore, #tpu.memory_space<semaphore_mem>>
    %dma_wait3A_51 = arith.constant 0 : i32
    %dma_wait3A_52 = arith.constant 0 : i32
    %dma_wait3A_53 = tpu.memref_slice %arg6[%dma_wait3A, %dma_wait3A_51, %dma_wait3A_52] : memref<6x400x32xf32, #tpu.memory_space<vmem>> -> memref<1x400x32xf32, #tpu.memory_space<vmem>>
    %dma_wait3A_54 = tpu.memref_squeeze %dma_wait3A_53 : memref<1x400x32xf32, #tpu.memory_space<vmem>> -> memref<400x32xf32, #tpu.memory_space<vmem>>
    %dma_wait3A_55 = arith.constant 0 : i32
    %dma_wait3A_56 = arith.constant 0 : i32
    %dma_wait3A_57 = tpu.memref_slice %arg3[%dma_wait3A_55, %dma_wait3A_56] : memref<1000000x32xf32, #tpu.memory_space<hbm>> -> memref<400x32xf32, #tpu.memory_space<hbm>>
    tpu.wait_dma2 semaphore(%dma_wait3A_50 : memref<!tpu.dma_semaphore, #tpu.memory_space<semaphore_mem>>) src(%dma_wait3A_57 : memref<400x32xf32, #tpu.memory_space<hbm>>) dst(%dma_wait3A_54 : memref<400x32xf32, #tpu.memory_space<vmem>>)
    %add3A_58 = arith.constant 0 : i32
    %add3A_59 = arith.addi %mul3A_2, %add3A_58 : i32
    %dma_start3A_60 = arith.constant 0 : i32
    %dma_start3A_61 = arith.constant 0 : i32
    %dma_start3A_62 = arith.constant 0 : i32
    %dma_start3A_63 = arith.constant 0 : i32
    %dma_start3A_64 = tpu.memref_slice %arg6[%dma_start3A_60, %dma_start3A_62, %dma_start3A_63] : memref<6x400x32xf32, #tpu.memory_space<vmem>> -> memref<1x400x32xf32, #tpu.memory_space<vmem>>
    %dma_start3A_65 = tpu.memref_squeeze %dma_start3A_64 : memref<1x400x32xf32, #tpu.memory_space<vmem>> -> memref<400x32xf32, #tpu.memory_space<vmem>>
    %dma_start3A_66 = arith.constant 0 : i32
    %dma_start3A_67 = tpu.memref_slice %arg4[%add3A_59, %dma_start3A_66] : memref<204800x32xf32, #tpu.memory_space<hbm>> -> memref<400x32xf32, #tpu.memory_space<hbm>>
    %dma_start3A_68 = tpu.memref_slice %arg8[%dma_start3A_61] : memref<6x!tpu.dma_semaphore, #tpu.memory_space<semaphore_mem>> -> memref<1x!tpu.dma_semaphore, #tpu.memory_space<semaphore_mem>>
    %dma_start3A_69 = tpu.memref_squeeze %dma_start3A_68 : memref<1x!tpu.dma_semaphore, #tpu.memory_space<semaphore_mem>> -> memref<!tpu.dma_semaphore, #tpu.memory_space<semaphore_mem>>
    %dma_start3A_70 = arith.constant 0 : i32
    %dma_start3A_71 = tpu.memref_slice %arg4[%add3A_59, %dma_start3A_70] : memref<204800x32xf32, #tpu.memory_space<hbm>> -> memref<400x32xf32, #tpu.memory_space<hbm>>
    %dma_start3A_72 = arith.constant 0 : i32
    %dma_start3A_73 = arith.constant 0 : i32
    %dma_start3A_74 = tpu.memref_slice %arg6[%dma_start3A_60, %dma_start3A_72, %dma_start3A_73] : memref<6x400x32xf32, #tpu.memory_space<vmem>> -> memref<1x400x32xf32, #tpu.memory_space<vmem>>
    %dma_start3A_75 = tpu.memref_squeeze %dma_start3A_74 : memref<1x400x32xf32, #tpu.memory_space<vmem>> -> memref<400x32xf32, #tpu.memory_space<vmem>>
    tpu.enqueue_dma source(%dma_start3A_75 : memref<400x32xf32, #tpu.memory_space<vmem>>) target(%dma_start3A_71 : memref<400x32xf32, #tpu.memory_space<hbm>>) target_semaphore(%dma_start3A_69 : memref<!tpu.dma_semaphore, #tpu.memory_space<semaphore_mem>>)
    %dma_start3A_76 = arith.constant 3 : i32
    %dma_start3A_77 = arith.constant 1 : i32
    %dma_start3A_78 = arith.constant 0 : i32
    %dma_start3A_79 = arith.constant 0 : i32
    %dma_start3A_80 = tpu.memref_slice %arg6[%dma_start3A_76, %dma_start3A_78, %dma_start3A_79] : memref<6x400x32xf32, #tpu.memory_space<vmem>> -> memref<1x400x32xf32, #tpu.memory_space<vmem>>
    %dma_start3A_81 = tpu.memref_squeeze %dma_start3A_80 : memref<1x400x32xf32, #tpu.memory_space<vmem>> -> memref<400x32xf32, #tpu.memory_space<vmem>>
    %dma_start3A_82 = arith.constant 1200 : i32
    %dma_start3A_83 = tpu.memref_slice %arg5[%dma_start3A_82] : memref<6400xi32, #tpu.memory_space<vmem>> -> memref<400xi32, #tpu.memory_space<vmem>>
    %dma_start3A_84 = arith.constant 0 : i32
    %dma_start3A_85 = arith.constant 0 : i32
    %dma_start3A_86 = tpu.memref_slice %arg3[%dma_start3A_84, %dma_start3A_85] : memref<1000000x32xf32, #tpu.memory_space<hbm>> -> memref<1000000x32xf32, #tpu.memory_space<hbm>>
    %dma_start3A_87 = tpu.memref_slice %arg7[%dma_start3A_77] : memref<2x!tpu.dma_semaphore, #tpu.memory_space<semaphore_mem>> -> memref<1x!tpu.dma_semaphore, #tpu.memory_space<semaphore_mem>>
    %dma_start3A_88 = tpu.memref_squeeze %dma_start3A_87 : memref<1x!tpu.dma_semaphore, #tpu.memory_space<semaphore_mem>> -> memref<!tpu.dma_semaphore, #tpu.memory_space<semaphore_mem>>
    tpu.enqueue_indirect_dma source(%dma_start3A_86 : memref<1000000x32xf32, #tpu.memory_space<hbm>>) target(%dma_start3A_81 : memref<400x32xf32, #tpu.memory_space<vmem>>) offsets(%dma_start3A_83 : memref<400xi32, #tpu.memory_space<vmem>>) semaphore(%dma_start3A_88 : memref<!tpu.dma_semaphore, #tpu.memory_space<semaphore_mem>>)
    %dma_wait3A_89 = arith.constant 0 : i32
    %dma_wait3A_90 = arith.constant 1 : i32
    %dma_wait3A_91 = arith.constant 0 : i32
    %dma_wait3A_92 = arith.constant 0 : i32
    %dma_wait3A_93 = tpu.memref_slice %arg6[%dma_wait3A_89, %dma_wait3A_91, %dma_wait3A_92] : memref<6x400x32xf32, #tpu.memory_space<vmem>> -> memref<1x400x32xf32, #tpu.memory_space<vmem>>
    %dma_wait3A_94 = tpu.memref_squeeze %dma_wait3A_93 : memref<1x400x32xf32, #tpu.memory_space<vmem>> -> memref<400x32xf32, #tpu.memory_space<vmem>>
    %dma_wait3A_95 = arith.constant 0 : i32
    %dma_wait3A_96 = arith.constant 0 : i32
    %dma_wait3A_97 = tpu.memref_slice %arg3[%dma_wait3A_95, %dma_wait3A_96] : memref<1000000x32xf32, #tpu.memory_space<hbm>> -> memref<400x32xf32, #tpu.memory_space<hbm>>
    %dma_wait3A_98 = tpu.memref_slice %arg7[%dma_wait3A_90] : memref<2x!tpu.dma_semaphore, #tpu.memory_space<semaphore_mem>> -> memref<1x!tpu.dma_semaphore, #tpu.memory_space<semaphore_mem>>
    %dma_wait3A_99 = tpu.memref_squeeze %dma_wait3A_98 : memref<1x!tpu.dma_semaphore, #tpu.memory_space<semaphore_mem>> -> memref<!tpu.dma_semaphore, #tpu.memory_space<semaphore_mem>>
    %dma_wait3A_100 = arith.constant 0 : i32
    %dma_wait3A_101 = arith.constant 0 : i32
    %dma_wait3A_102 = tpu.memref_slice %arg6[%dma_wait3A_89, %dma_wait3A_100, %dma_wait3A_101] : memref<6x400x32xf32, #tpu.memory_space<vmem>> -> memref<1x400x32xf32, #tpu.memory_space<vmem>>
    %dma_wait3A_103 = tpu.memref_squeeze %dma_wait3A_102 : memref<1x400x32xf32, #tpu.memory_space<vmem>> -> memref<400x32xf32, #tpu.memory_space<vmem>>
    %dma_wait3A_104 = arith.constant 0 : i32
    %dma_wait3A_105 = arith.constant 0 : i32
    %dma_wait3A_106 = tpu.memref_slice %arg3[%dma_wait3A_104, %dma_wait3A_105] : memref<1000000x32xf32, #tpu.memory_space<hbm>> -> memref<400x32xf32, #tpu.memory_space<hbm>>
    tpu.wait_dma2 semaphore(%dma_wait3A_99 : memref<!tpu.dma_semaphore, #tpu.memory_space<semaphore_mem>>) src(%dma_wait3A_106 : memref<400x32xf32, #tpu.memory_space<hbm>>) dst(%dma_wait3A_103 : memref<400x32xf32, #tpu.memory_space<vmem>>)
    %add3A_107 = arith.constant 400 : i32
    %add3A_108 = arith.addi %mul3A_2, %add3A_107 : i32
    %dma_start3A_109 = arith.constant 1 : i32
    %dma_start3A_110 = arith.constant 1 : i32
    %dma_start3A_111 = arith.constant 0 : i32
    %dma_start3A_112 = arith.constant 0 : i32
    %dma_start3A_113 = tpu.memref_slice %arg6[%dma_start3A_109, %dma_start3A_111, %dma_start3A_112] : memref<6x400x32xf32, #tpu.memory_space<vmem>> -> memref<1x400x32xf32, #tpu.memory_space<vmem>>
    %dma_start3A_114 = tpu.memref_squeeze %dma_start3A_113 : memref<1x400x32xf32, #tpu.memory_space<vmem>> -> memref<400x32xf32, #tpu.memory_space<vmem>>
    %dma_start3A_115 = arith.constant 0 : i32
    %dma_start3A_116 = tpu.memref_slice %arg4[%add3A_108, %dma_start3A_115] : memref<204800x32xf32, #tpu.memory_space<hbm>> -> memref<400x32xf32, #tpu.memory_space<hbm>>
    %dma_start3A_117 = tpu.memref_slice %arg8[%dma_start3A_110] : memref<6x!tpu.dma_semaphore, #tpu.memory_space<semaphore_mem>> -> memref<1x!tpu.dma_semaphore, #tpu.memory_space<semaphore_mem>>
    %dma_start3A_118 = tpu.memref_squeeze %dma_start3A_117 : memref<1x!tpu.dma_semaphore, #tpu.memory_space<semaphore_mem>> -> memref<!tpu.dma_semaphore, #tpu.memory_space<semaphore_mem>>
    %dma_start3A_119 = arith.constant 0 : i32
    %dma_start3A_120 = tpu.memref_slice %arg4[%add3A_108, %dma_start3A_119] : memref<204800x32xf32, #tpu.memory_space<hbm>> -> memref<400x32xf32, #tpu.memory_space<hbm>>
    %dma_start3A_121 = arith.constant 0 : i32
    %dma_start3A_122 = arith.constant 0 : i32
    %dma_start3A_123 = tpu.memref_slice %arg6[%dma_start3A_109, %dma_start3A_121, %dma_start3A_122] : memref<6x400x32xf32, #tpu.memory_space<vmem>> -> memref<1x400x32xf32, #tpu.memory_space<vmem>>
    %dma_start3A_124 = tpu.memref_squeeze %dma_start3A_123 : memref<1x400x32xf32, #tpu.memory_space<vmem>> -> memref<400x32xf32, #tpu.memory_space<vmem>>
    tpu.enqueue_dma source(%dma_start3A_124 : memref<400x32xf32, #tpu.memory_space<vmem>>) target(%dma_start3A_120 : memref<400x32xf32, #tpu.memory_space<hbm>>) target_semaphore(%dma_start3A_118 : memref<!tpu.dma_semaphore, #tpu.memory_space<semaphore_mem>>)
    %dma_start3A_125 = arith.constant 4 : i32
    %dma_start3A_126 = arith.constant 0 : i32
    %dma_start3A_127 = arith.constant 0 : i32
    %dma_start3A_128 = arith.constant 0 : i32
    %dma_start3A_129 = tpu.memref_slice %arg6[%dma_start3A_125, %dma_start3A_127, %dma_start3A_128] : memref<6x400x32xf32, #tpu.memory_space<vmem>> -> memref<1x400x32xf32, #tpu.memory_space<vmem>>
    %dma_start3A_130 = tpu.memref_squeeze %dma_start3A_129 : memref<1x400x32xf32, #tpu.memory_space<vmem>> -> memref<400x32xf32, #tpu.memory_space<vmem>>
    %dma_start3A_131 = arith.constant 1600 : i32
    %dma_start3A_132 = tpu.memref_slice %arg5[%dma_start3A_131] : memref<6400xi32, #tpu.memory_space<vmem>> -> memref<400xi32, #tpu.memory_space<vmem>>
    %dma_start3A_133 = arith.constant 0 : i32
    %dma_start3A_134 = arith.constant 0 : i32
    %dma_start3A_135 = tpu.memref_slice %arg3[%dma_start3A_133, %dma_start3A_134] : memref<1000000x32xf32, #tpu.memory_space<hbm>> -> memref<1000000x32xf32, #tpu.memory_space<hbm>>
    %dma_start3A_136 = tpu.memref_slice %arg7[%dma_start3A_126] : memref<2x!tpu.dma_semaphore, #tpu.memory_space<semaphore_mem>> -> memref<1x!tpu.dma_semaphore, #tpu.memory_space<semaphore_mem>>
    %dma_start3A_137 = tpu.memref_squeeze %dma_start3A_136 : memref<1x!tpu.dma_semaphore, #tpu.memory_space<semaphore_mem>> -> memref<!tpu.dma_semaphore, #tpu.memory_space<semaphore_mem>>
    tpu.enqueue_indirect_dma source(%dma_start3A_135 : memref<1000000x32xf32, #tpu.memory_space<hbm>>) target(%dma_start3A_130 : memref<400x32xf32, #tpu.memory_space<vmem>>) offsets(%dma_start3A_132 : memref<400xi32, #tpu.memory_space<vmem>>) semaphore(%dma_start3A_137 : memref<!tpu.dma_semaphore, #tpu.memory_space<semaphore_mem>>)
    %dma_wait3A_138 = arith.constant 0 : i32
    %dma_wait3A_139 = arith.constant 0 : i32
    %dma_wait3A_140 = arith.constant 0 : i32
    %dma_wait3A_141 = arith.constant 0 : i32
    %dma_wait3A_142 = tpu.memref_slice %arg6[%dma_wait3A_138, %dma_wait3A_140, %dma_wait3A_141] : memref<6x400x32xf32, #tpu.memory_space<vmem>> -> memref<1x400x32xf32, #tpu.memory_space<vmem>>
    %dma_wait3A_143 = tpu.memref_squeeze %dma_wait3A_142 : memref<1x400x32xf32, #tpu.memory_space<vmem>> -> memref<400x32xf32, #tpu.memory_space<vmem>>
    %dma_wait3A_144 = arith.constant 0 : i32
    %dma_wait3A_145 = arith.constant 0 : i32
    %dma_wait3A_146 = tpu.memref_slice %arg3[%dma_wait3A_144, %dma_wait3A_145] : memref<1000000x32xf32, #tpu.memory_space<hbm>> -> memref<400x32xf32, #tpu.memory_space<hbm>>
    %dma_wait3A_147 = tpu.memref_slice %arg7[%dma_wait3A_139] : memref<2x!tpu.dma_semaphore, #tpu.memory_space<semaphore_mem>> -> memref<1x!tpu.dma_semaphore, #tpu.memory_space<semaphore_mem>>
    %dma_wait3A_148 = tpu.memref_squeeze %dma_wait3A_147 : memref<1x!tpu.dma_semaphore, #tpu.memory_space<semaphore_mem>> -> memref<!tpu.dma_semaphore, #tpu.memory_space<semaphore_mem>>
    %dma_wait3A_149 = arith.constant 0 : i32
    %dma_wait3A_150 = arith.constant 0 : i32
    %dma_wait3A_151 = tpu.memref_slice %arg6[%dma_wait3A_138, %dma_wait3A_149, %dma_wait3A_150] : memref<6x400x32xf32, #tpu.memory_space<vmem>> -> memref<1x400x32xf32, #tpu.memory_space<vmem>>
    %dma_wait3A_152 = tpu.memref_squeeze %dma_wait3A_151 : memref<1x400x32xf32, #tpu.memory_space<vmem>> -> memref<400x32xf32, #tpu.memory_space<vmem>>
    %dma_wait3A_153 = arith.constant 0 : i32
    %dma_wait3A_154 = arith.constant 0 : i32
    %dma_wait3A_155 = tpu.memref_slice %arg3[%dma_wait3A_153, %dma_wait3A_154] : memref<1000000x32xf32, #tpu.memory_space<hbm>> -> memref<400x32xf32, #tpu.memory_space<hbm>>
    tpu.wait_dma2 semaphore(%dma_wait3A_148 : memref<!tpu.dma_semaphore, #tpu.memory_space<semaphore_mem>>) src(%dma_wait3A_155 : memref<400x32xf32, #tpu.memory_space<hbm>>) dst(%dma_wait3A_152 : memref<400x32xf32, #tpu.memory_space<vmem>>)
    %add3A_156 = arith.constant 800 : i32
    %add3A_157 = arith.addi %mul3A_2, %add3A_156 : i32
    %dma_start3A_158 = arith.constant 2 : i32
    %dma_start3A_159 = arith.constant 2 : i32
    %dma_start3A_160 = arith.constant 0 : i32
    %dma_start3A_161 = arith.constant 0 : i32
    %dma_start3A_162 = tpu.memref_slice %arg6[%dma_start3A_158, %dma_start3A_160, %dma_start3A_161] : memref<6x400x32xf32, #tpu.memory_space<vmem>> -> memref<1x400x32xf32, #tpu.memory_space<vmem>>
    %dma_start3A_163 = tpu.memref_squeeze %dma_start3A_162 : memref<1x400x32xf32, #tpu.memory_space<vmem>> -> memref<400x32xf32, #tpu.memory_space<vmem>>
    %dma_start3A_164 = arith.constant 0 : i32
    %dma_start3A_165 = tpu.memref_slice %arg4[%add3A_157, %dma_start3A_164] : memref<204800x32xf32, #tpu.memory_space<hbm>> -> memref<400x32xf32, #tpu.memory_space<hbm>>
    %dma_start3A_166 = tpu.memref_slice %arg8[%dma_start3A_159] : memref<6x!tpu.dma_semaphore, #tpu.memory_space<semaphore_mem>> -> memref<1x!tpu.dma_semaphore, #tpu.memory_space<semaphore_mem>>
    %dma_start3A_167 = tpu.memref_squeeze %dma_start3A_166 : memref<1x!tpu.dma_semaphore, #tpu.memory_space<semaphore_mem>> -> memref<!tpu.dma_semaphore, #tpu.memory_space<semaphore_mem>>
    %dma_start3A_168 = arith.constant 0 : i32
    %dma_start3A_169 = tpu.memref_slice %arg4[%add3A_157, %dma_start3A_168] : memref<204800x32xf32, #tpu.memory_space<hbm>> -> memref<400x32xf32, #tpu.memory_space<hbm>>
    %dma_start3A_170 = arith.constant 0 : i32
    %dma_start3A_171 = arith.constant 0 : i32
    %dma_start3A_172 = tpu.memref_slice %arg6[%dma_start3A_158, %dma_start3A_170, %dma_start3A_171] : memref<6x400x32xf32, #tpu.memory_space<vmem>> -> memref<1x400x32xf32, #tpu.memory_space<vmem>>
    %dma_start3A_173 = tpu.memref_squeeze %dma_start3A_172 : memref<1x400x32xf32, #tpu.memory_space<vmem>> -> memref<400x32xf32, #tpu.memory_space<vmem>>
    tpu.enqueue_dma source(%dma_start3A_173 : memref<400x32xf32, #tpu.memory_space<vmem>>) target(%dma_start3A_169 : memref<400x32xf32, #tpu.memory_space<hbm>>) target_semaphore(%dma_start3A_167 : memref<!tpu.dma_semaphore, #tpu.memory_space<semaphore_mem>>)
    %dma_start3A_174 = arith.constant 5 : i32
    %dma_start3A_175 = arith.constant 1 : i32
    %dma_start3A_176 = arith.constant 0 : i32
    %dma_start3A_177 = arith.constant 0 : i32
    %dma_start3A_178 = tpu.memref_slice %arg6[%dma_start3A_174, %dma_start3A_176, %dma_start3A_177] : memref<6x400x32xf32, #tpu.memory_space<vmem>> -> memref<1x400x32xf32, #tpu.memory_space<vmem>>
    %dma_start3A_179 = tpu.memref_squeeze %dma_start3A_178 : memref<1x400x32xf32, #tpu.memory_space<vmem>> -> memref<400x32xf32, #tpu.memory_space<vmem>>
    %dma_start3A_180 = arith.constant 2000 : i32
    %dma_start3A_181 = tpu.memref_slice %arg5[%dma_start3A_180] : memref<6400xi32, #tpu.memory_space<vmem>> -> memref<400xi32, #tpu.memory_space<vmem>>
    %dma_start3A_182 = arith.constant 0 : i32
    %dma_start3A_183 = arith.constant 0 : i32
    %dma_start3A_184 = tpu.memref_slice %arg3[%dma_start3A_182, %dma_start3A_183] : memref<1000000x32xf32, #tpu.memory_space<hbm>> -> memref<1000000x32xf32, #tpu.memory_space<hbm>>
    %dma_start3A_185 = tpu.memref_slice %arg7[%dma_start3A_175] : memref<2x!tpu.dma_semaphore, #tpu.memory_space<semaphore_mem>> -> memref<1x!tpu.dma_semaphore, #tpu.memory_space<semaphore_mem>>
    %dma_start3A_186 = tpu.memref_squeeze %dma_start3A_185 : memref<1x!tpu.dma_semaphore, #tpu.memory_space<semaphore_mem>> -> memref<!tpu.dma_semaphore, #tpu.memory_space<semaphore_mem>>
    tpu.enqueue_indirect_dma source(%dma_start3A_184 : memref<1000000x32xf32, #tpu.memory_space<hbm>>) target(%dma_start3A_179 : memref<400x32xf32, #tpu.memory_space<vmem>>) offsets(%dma_start3A_181 : memref<400xi32, #tpu.memory_space<vmem>>) semaphore(%dma_start3A_186 : memref<!tpu.dma_semaphore, #tpu.memory_space<semaphore_mem>>)
    %dma_wait3A_187 = arith.constant 0 : i32
    %dma_wait3A_188 = arith.constant 1 : i32
    %dma_wait3A_189 = arith.constant 0 : i32
    %dma_wait3A_190 = arith.constant 0 : i32
    %dma_wait3A_191 = tpu.memref_slice %arg6[%dma_wait3A_187, %dma_wait3A_189, %dma_wait3A_190] : memref<6x400x32xf32, #tpu.memory_space<vmem>> -> memref<1x400x32xf32, #tpu.memory_space<vmem>>
    %dma_wait3A_192 = tpu.memref_squeeze %dma_wait3A_191 : memref<1x400x32xf32, #tpu.memory_space<vmem>> -> memref<400x32xf32, #tpu.memory_space<vmem>>
    %dma_wait3A_193 = arith.constant 0 : i32
    %dma_wait3A_194 = arith.constant 0 : i32
    %dma_wait3A_195 = tpu.memref_slice %arg3[%dma_wait3A_193, %dma_wait3A_194] : memref<1000000x32xf32, #tpu.memory_space<hbm>> -> memref<400x32xf32, #tpu.memory_space<hbm>>
    %dma_wait3A_196 = tpu.memref_slice %arg7[%dma_wait3A_188] : memref<2x!tpu.dma_semaphore, #tpu.memory_space<semaphore_mem>> -> memref<1x!tpu.dma_semaphore, #tpu.memory_space<semaphore_mem>>
    %dma_wait3A_197 = tpu.memref_squeeze %dma_wait3A_196 : memref<1x!tpu.dma_semaphore, #tpu.memory_space<semaphore_mem>> -> memref<!tpu.dma_semaphore, #tpu.memory_space<semaphore_mem>>
    %dma_wait3A_198 = arith.constant 0 : i32
    %dma_wait3A_199 = arith.constant 0 : i32
    %dma_wait3A_200 = tpu.memref_slice %arg6[%dma_wait3A_187, %dma_wait3A_198, %dma_wait3A_199] : memref<6x400x32xf32, #tpu.memory_space<vmem>> -> memref<1x400x32xf32, #tpu.memory_space<vmem>>
    %dma_wait3A_201 = tpu.memref_squeeze %dma_wait3A_200 : memref<1x400x32xf32, #tpu.memory_space<vmem>> -> memref<400x32xf32, #tpu.memory_space<vmem>>
    %dma_wait3A_202 = arith.constant 0 : i32
    %dma_wait3A_203 = arith.constant 0 : i32
    %dma_wait3A_204 = tpu.memref_slice %arg3[%dma_wait3A_202, %dma_wait3A_203] : memref<1000000x32xf32, #tpu.memory_space<hbm>> -> memref<400x32xf32, #tpu.memory_space<hbm>>
    tpu.wait_dma2 semaphore(%dma_wait3A_197 : memref<!tpu.dma_semaphore, #tpu.memory_space<semaphore_mem>>) src(%dma_wait3A_204 : memref<400x32xf32, #tpu.memory_space<hbm>>) dst(%dma_wait3A_201 : memref<400x32xf32, #tpu.memory_space<vmem>>)
    %add3A_205 = arith.constant 1200 : i32
    %add3A_206 = arith.addi %mul3A_2, %add3A_205 : i32
    %dma_start3A_207 = arith.constant 3 : i32
    %dma_start3A_208 = arith.constant 3 : i32
    %dma_start3A_209 = arith.constant 0 : i32
    %dma_start3A_210 = arith.constant 0 : i32
    %dma_start3A_211 = tpu.memref_slice %arg6[%dma_start3A_207, %dma_start3A_209, %dma_start3A_210] : memref<6x400x32xf32, #tpu.memory_space<vmem>> -> memref<1x400x32xf32, #tpu.memory_space<vmem>>
    %dma_start3A_212 = tpu.memref_squeeze %dma_start3A_211 : memref<1x400x32xf32, #tpu.memory_space<vmem>> -> memref<400x32xf32, #tpu.memory_space<vmem>>
    %dma_start3A_213 = arith.constant 0 : i32
    %dma_start3A_214 = tpu.memref_slice %arg4[%add3A_206, %dma_start3A_213] : memref<204800x32xf32, #tpu.memory_space<hbm>> -> memref<400x32xf32, #tpu.memory_space<hbm>>
    %dma_start3A_215 = tpu.memref_slice %arg8[%dma_start3A_208] : memref<6x!tpu.dma_semaphore, #tpu.memory_space<semaphore_mem>> -> memref<1x!tpu.dma_semaphore, #tpu.memory_space<semaphore_mem>>
    %dma_start3A_216 = tpu.memref_squeeze %dma_start3A_215 : memref<1x!tpu.dma_semaphore, #tpu.memory_space<semaphore_mem>> -> memref<!tpu.dma_semaphore, #tpu.memory_space<semaphore_mem>>
    %dma_start3A_217 = arith.constant 0 : i32
    %dma_start3A_218 = tpu.memref_slice %arg4[%add3A_206, %dma_start3A_217] : memref<204800x32xf32, #tpu.memory_space<hbm>> -> memref<400x32xf32, #tpu.memory_space<hbm>>
    %dma_start3A_219 = arith.constant 0 : i32
    %dma_start3A_220 = arith.constant 0 : i32
    %dma_start3A_221 = tpu.memref_slice %arg6[%dma_start3A_207, %dma_start3A_219, %dma_start3A_220] : memref<6x400x32xf32, #tpu.memory_space<vmem>> -> memref<1x400x32xf32, #tpu.memory_space<vmem>>
    %dma_start3A_222 = tpu.memref_squeeze %dma_start3A_221 : memref<1x400x32xf32, #tpu.memory_space<vmem>> -> memref<400x32xf32, #tpu.memory_space<vmem>>
    tpu.enqueue_dma source(%dma_start3A_222 : memref<400x32xf32, #tpu.memory_space<vmem>>) target(%dma_start3A_218 : memref<400x32xf32, #tpu.memory_space<hbm>>) target_semaphore(%dma_start3A_216 : memref<!tpu.dma_semaphore, #tpu.memory_space<semaphore_mem>>)
    %add3A_223 = arith.constant 0 : i32
    %add3A_224 = arith.addi %mul3A_2, %add3A_223 : i32
    %dma_wait3A_225 = arith.constant 0 : i32
    %dma_wait3A_226 = arith.constant 0 : i32
    %dma_wait3A_227 = arith.constant 0 : i32
    %dma_wait3A_228 = arith.constant 0 : i32
    %dma_wait3A_229 = tpu.memref_slice %arg6[%dma_wait3A_225, %dma_wait3A_227, %dma_wait3A_228] : memref<6x400x32xf32, #tpu.memory_space<vmem>> -> memref<1x400x32xf32, #tpu.memory_space<vmem>>
    %dma_wait3A_230 = tpu.memref_squeeze %dma_wait3A_229 : memref<1x400x32xf32, #tpu.memory_space<vmem>> -> memref<400x32xf32, #tpu.memory_space<vmem>>
    %dma_wait3A_231 = arith.constant 0 : i32
    %dma_wait3A_232 = tpu.memref_slice %arg4[%add3A_224, %dma_wait3A_231] : memref<204800x32xf32, #tpu.memory_space<hbm>> -> memref<400x32xf32, #tpu.memory_space<hbm>>
    %dma_wait3A_233 = tpu.memref_slice %arg8[%dma_wait3A_226] : memref<6x!tpu.dma_semaphore, #tpu.memory_space<semaphore_mem>> -> memref<1x!tpu.dma_semaphore, #tpu.memory_space<semaphore_mem>>
    %dma_wait3A_234 = tpu.memref_squeeze %dma_wait3A_233 : memref<1x!tpu.dma_semaphore, #tpu.memory_space<semaphore_mem>> -> memref<!tpu.dma_semaphore, #tpu.memory_space<semaphore_mem>>
    %dma_wait3A_235 = arith.constant 0 : i32
    %dma_wait3A_236 = tpu.memref_slice %arg4[%add3A_224, %dma_wait3A_235] : memref<204800x32xf32, #tpu.memory_space<hbm>> -> memref<400x32xf32, #tpu.memory_space<hbm>>
    %dma_wait3A_237 = arith.constant 0 : i32
    %dma_wait3A_238 = arith.constant 0 : i32
    %dma_wait3A_239 = tpu.memref_slice %arg6[%dma_wait3A_225, %dma_wait3A_237, %dma_wait3A_238] : memref<6x400x32xf32, #tpu.memory_space<vmem>> -> memref<1x400x32xf32, #tpu.memory_space<vmem>>
    %dma_wait3A_240 = tpu.memref_squeeze %dma_wait3A_239 : memref<1x400x32xf32, #tpu.memory_space<vmem>> -> memref<400x32xf32, #tpu.memory_space<vmem>>
    tpu.wait_dma2 semaphore(%dma_wait3A_234 : memref<!tpu.dma_semaphore, #tpu.memory_space<semaphore_mem>>) src(%dma_wait3A_240 : memref<400x32xf32, #tpu.memory_space<vmem>>) dst(%dma_wait3A_236 : memref<400x32xf32, #tpu.memory_space<hbm>>)
    %dma_start3A_241 = arith.constant 0 : i32
    %dma_start3A_242 = arith.constant 0 : i32
    %dma_start3A_243 = arith.constant 0 : i32
    %dma_start3A_244 = arith.constant 0 : i32
    %dma_start3A_245 = tpu.memref_slice %arg6[%dma_start3A_241, %dma_start3A_243, %dma_start3A_244] : memref<6x400x32xf32, #tpu.memory_space<vmem>> -> memref<1x400x32xf32, #tpu.memory_space<vmem>>
    %dma_start3A_246 = tpu.memref_squeeze %dma_start3A_245 : memref<1x400x32xf32, #tpu.memory_space<vmem>> -> memref<400x32xf32, #tpu.memory_space<vmem>>
    %dma_start3A_247 = arith.constant 2400 : i32
    %dma_start3A_248 = tpu.memref_slice %arg5[%dma_start3A_247] : memref<6400xi32, #tpu.memory_space<vmem>> -> memref<400xi32, #tpu.memory_space<vmem>>
    %dma_start3A_249 = arith.constant 0 : i32
    %dma_start3A_250 = arith.constant 0 : i32
    %dma_start3A_251 = tpu.memref_slice %arg3[%dma_start3A_249, %dma_start3A_250] : memref<1000000x32xf32, #tpu.memory_space<hbm>> -> memref<1000000x32xf32, #tpu.memory_space<hbm>>
    %dma_start3A_252 = tpu.memref_slice %arg7[%dma_start3A_242] : memref<2x!tpu.dma_semaphore, #tpu.memory_space<semaphore_mem>> -> memref<1x!tpu.dma_semaphore, #tpu.memory_space<semaphore_mem>>
    %dma_start3A_253 = tpu.memref_squeeze %dma_start3A_252 : memref<1x!tpu.dma_semaphore, #tpu.memory_space<semaphore_mem>> -> memref<!tpu.dma_semaphore, #tpu.memory_space<semaphore_mem>>
    tpu.enqueue_indirect_dma source(%dma_start3A_251 : memref<1000000x32xf32, #tpu.memory_space<hbm>>) target(%dma_start3A_246 : memref<400x32xf32, #tpu.memory_space<vmem>>) offsets(%dma_start3A_248 : memref<400xi32, #tpu.memory_space<vmem>>) semaphore(%dma_start3A_253 : memref<!tpu.dma_semaphore, #tpu.memory_space<semaphore_mem>>)
    %dma_wait3A_254 = arith.constant 0 : i32
    %dma_wait3A_255 = arith.constant 0 : i32
    %dma_wait3A_256 = arith.constant 0 : i32
    %dma_wait3A_257 = arith.constant 0 : i32
    %dma_wait3A_258 = tpu.memref_slice %arg6[%dma_wait3A_254, %dma_wait3A_256, %dma_wait3A_257] : memref<6x400x32xf32, #tpu.memory_space<vmem>> -> memref<1x400x32xf32, #tpu.memory_space<vmem>>
    %dma_wait3A_259 = tpu.memref_squeeze %dma_wait3A_258 : memref<1x400x32xf32, #tpu.memory_space<vmem>> -> memref<400x32xf32, #tpu.memory_space<vmem>>
    %dma_wait3A_260 = arith.constant 0 : i32
    %dma_wait3A_261 = arith.constant 0 : i32
    %dma_wait3A_262 = tpu.memref_slice %arg3[%dma_wait3A_260, %dma_wait3A_261] : memref<1000000x32xf32, #tpu.memory_space<hbm>> -> memref<400x32xf32, #tpu.memory_space<hbm>>
    %dma_wait3A_263 = tpu.memref_slice %arg7[%dma_wait3A_255] : memref<2x!tpu.dma_semaphore, #tpu.memory_space<semaphore_mem>> -> memref<1x!tpu.dma_semaphore, #tpu.memory_space<semaphore_mem>>
    %dma_wait3A_264 = tpu.memref_squeeze %dma_wait3A_263 : memref<1x!tpu.dma_semaphore, #tpu.memory_space<semaphore_mem>> -> memref<!tpu.dma_semaphore, #tpu.memory_space<semaphore_mem>>
    %dma_wait3A_265 = arith.constant 0 : i32
    %dma_wait3A_266 = arith.constant 0 : i32
    %dma_wait3A_267 = tpu.memref_slice %arg6[%dma_wait3A_254, %dma_wait3A_265, %dma_wait3A_266] : memref<6x400x32xf32, #tpu.memory_space<vmem>> -> memref<1x400x32xf32, #tpu.memory_space<vmem>>
    %dma_wait3A_268 = tpu.memref_squeeze %dma_wait3A_267 : memref<1x400x32xf32, #tpu.memory_space<vmem>> -> memref<400x32xf32, #tpu.memory_space<vmem>>
    %dma_wait3A_269 = arith.constant 0 : i32
    %dma_wait3A_270 = arith.constant 0 : i32
    %dma_wait3A_271 = tpu.memref_slice %arg3[%dma_wait3A_269, %dma_wait3A_270] : memref<1000000x32xf32, #tpu.memory_space<hbm>> -> memref<400x32xf32, #tpu.memory_space<hbm>>
    tpu.wait_dma2 semaphore(%dma_wait3A_264 : memref<!tpu.dma_semaphore, #tpu.memory_space<semaphore_mem>>) src(%dma_wait3A_271 : memref<400x32xf32, #tpu.memory_space<hbm>>) dst(%dma_wait3A_268 : memref<400x32xf32, #tpu.memory_space<vmem>>)
    %add3A_272 = arith.constant 1600 : i32
    %add3A_273 = arith.addi %mul3A_2, %add3A_272 : i32
    %dma_start3A_274 = arith.constant 4 : i32
    %dma_start3A_275 = arith.constant 4 : i32
    %dma_start3A_276 = arith.constant 0 : i32
    %dma_start3A_277 = arith.constant 0 : i32
    %dma_start3A_278 = tpu.memref_slice %arg6[%dma_start3A_274, %dma_start3A_276, %dma_start3A_277] : memref<6x400x32xf32, #tpu.memory_space<vmem>> -> memref<1x400x32xf32, #tpu.memory_space<vmem>>
    %dma_start3A_279 = tpu.memref_squeeze %dma_start3A_278 : memref<1x400x32xf32, #tpu.memory_space<vmem>> -> memref<400x32xf32, #tpu.memory_space<vmem>>
    %dma_start3A_280 = arith.constant 0 : i32
    %dma_start3A_281 = tpu.memref_slice %arg4[%add3A_273, %dma_start3A_280] : memref<204800x32xf32, #tpu.memory_space<hbm>> -> memref<400x32xf32, #tpu.memory_space<hbm>>
    %dma_start3A_282 = tpu.memref_slice %arg8[%dma_start3A_275] : memref<6x!tpu.dma_semaphore, #tpu.memory_space<semaphore_mem>> -> memref<1x!tpu.dma_semaphore, #tpu.memory_space<semaphore_mem>>
    %dma_start3A_283 = tpu.memref_squeeze %dma_start3A_282 : memref<1x!tpu.dma_semaphore, #tpu.memory_space<semaphore_mem>> -> memref<!tpu.dma_semaphore, #tpu.memory_space<semaphore_mem>>
    %dma_start3A_284 = arith.constant 0 : i32
    %dma_start3A_285 = tpu.memref_slice %arg4[%add3A_273, %dma_start3A_284] : memref<204800x32xf32, #tpu.memory_space<hbm>> -> memref<400x32xf32, #tpu.memory_space<hbm>>
    %dma_start3A_286 = arith.constant 0 : i32
    %dma_start3A_287 = arith.constant 0 : i32
    %dma_start3A_288 = tpu.memref_slice %arg6[%dma_start3A_274, %dma_start3A_286, %dma_start3A_287] : memref<6x400x32xf32, #tpu.memory_space<vmem>> -> memref<1x400x32xf32, #tpu.memory_space<vmem>>
    %dma_start3A_289 = tpu.memref_squeeze %dma_start3A_288 : memref<1x400x32xf32, #tpu.memory_space<vmem>> -> memref<400x32xf32, #tpu.memory_space<vmem>>
    tpu.enqueue_dma source(%dma_start3A_289 : memref<400x32xf32, #tpu.memory_space<vmem>>) target(%dma_start3A_285 : memref<400x32xf32, #tpu.memory_space<hbm>>) target_semaphore(%dma_start3A_283 : memref<!tpu.dma_semaphore, #tpu.memory_space<semaphore_mem>>)
    %add3A_290 = arith.constant 400 : i32
    %add3A_291 = arith.addi %mul3A_2, %add3A_290 : i32
    %dma_wait3A_292 = arith.constant 1 : i32
    %dma_wait3A_293 = arith.constant 1 : i32
    %dma_wait3A_294 = arith.constant 0 : i32
    %dma_wait3A_295 = arith.constant 0 : i32
    %dma_wait3A_296 = tpu.memref_slice %arg6[%dma_wait3A_292, %dma_wait3A_294, %dma_wait3A_295] : memref<6x400x32xf32, #tpu.memory_space<vmem>> -> memref<1x400x32xf32, #tpu.memory_space<vmem>>
    %dma_wait3A_297 = tpu.memref_squeeze %dma_wait3A_296 : memref<1x400x32xf32, #tpu.memory_space<vmem>> -> memref<400x32xf32, #tpu.memory_space<vmem>>
    %dma_wait3A_298 = arith.constant 0 : i32
    %dma_wait3A_299 = tpu.memref_slice %arg4[%add3A_291, %dma_wait3A_298] : memref<204800x32xf32, #tpu.memory_space<hbm>> -> memref<400x32xf32, #tpu.memory_space<hbm>>
    %dma_wait3A_300 = tpu.memref_slice %arg8[%dma_wait3A_293] : memref<6x!tpu.dma_semaphore, #tpu.memory_space<semaphore_mem>> -> memref<1x!tpu.dma_semaphore, #tpu.memory_space<semaphore_mem>>
    %dma_wait3A_301 = tpu.memref_squeeze %dma_wait3A_300 : memref<1x!tpu.dma_semaphore, #tpu.memory_space<semaphore_mem>> -> memref<!tpu.dma_semaphore, #tpu.memory_space<semaphore_mem>>
    %dma_wait3A_302 = arith.constant 0 : i32
    %dma_wait3A_303 = tpu.memref_slice %arg4[%add3A_291, %dma_wait3A_302] : memref<204800x32xf32, #tpu.memory_space<hbm>> -> memref<400x32xf32, #tpu.memory_space<hbm>>
    %dma_wait3A_304 = arith.constant 0 : i32
    %dma_wait3A_305 = arith.constant 0 : i32
    %dma_wait3A_306 = tpu.memref_slice %arg6[%dma_wait3A_292, %dma_wait3A_304, %dma_wait3A_305] : memref<6x400x32xf32, #tpu.memory_space<vmem>> -> memref<1x400x32xf32, #tpu.memory_space<vmem>>
    %dma_wait3A_307 = tpu.memref_squeeze %dma_wait3A_306 : memref<1x400x32xf32, #tpu.memory_space<vmem>> -> memref<400x32xf32, #tpu.memory_space<vmem>>
    tpu.wait_dma2 semaphore(%dma_wait3A_301 : memref<!tpu.dma_semaphore, #tpu.memory_space<semaphore_mem>>) src(%dma_wait3A_307 : memref<400x32xf32, #tpu.memory_space<vmem>>) dst(%dma_wait3A_303 : memref<400x32xf32, #tpu.memory_space<hbm>>)
    %dma_start3A_308 = arith.constant 1 : i32
    %dma_start3A_309 = arith.constant 1 : i32
    %dma_start3A_310 = arith.constant 0 : i32
    %dma_start3A_311 = arith.constant 0 : i32
    %dma_start3A_312 = tpu.memref_slice %arg6[%dma_start3A_308, %dma_start3A_310, %dma_start3A_311] : memref<6x400x32xf32, #tpu.memory_space<vmem>> -> memref<1x400x32xf32, #tpu.memory_space<vmem>>
    %dma_start3A_313 = tpu.memref_squeeze %dma_start3A_312 : memref<1x400x32xf32, #tpu.memory_space<vmem>> -> memref<400x32xf32, #tpu.memory_space<vmem>>
    %dma_start3A_314 = arith.constant 2800 : i32
    %dma_start3A_315 = tpu.memref_slice %arg5[%dma_start3A_314] : memref<6400xi32, #tpu.memory_space<vmem>> -> memref<400xi32, #tpu.memory_space<vmem>>
    %dma_start3A_316 = arith.constant 0 : i32
    %dma_start3A_317 = arith.constant 0 : i32
    %dma_start3A_318 = tpu.memref_slice %arg3[%dma_start3A_316, %dma_start3A_317] : memref<1000000x32xf32, #tpu.memory_space<hbm>> -> memref<1000000x32xf32, #tpu.memory_space<hbm>>
    %dma_start3A_319 = tpu.memref_slice %arg7[%dma_start3A_309] : memref<2x!tpu.dma_semaphore, #tpu.memory_space<semaphore_mem>> -> memref<1x!tpu.dma_semaphore, #tpu.memory_space<semaphore_mem>>
    %dma_start3A_320 = tpu.memref_squeeze %dma_start3A_319 : memref<1x!tpu.dma_semaphore, #tpu.memory_space<semaphore_mem>> -> memref<!tpu.dma_semaphore, #tpu.memory_space<semaphore_mem>>
    tpu.enqueue_indirect_dma source(%dma_start3A_318 : memref<1000000x32xf32, #tpu.memory_space<hbm>>) target(%dma_start3A_313 : memref<400x32xf32, #tpu.memory_space<vmem>>) offsets(%dma_start3A_315 : memref<400xi32, #tpu.memory_space<vmem>>) semaphore(%dma_start3A_320 : memref<!tpu.dma_semaphore, #tpu.memory_space<semaphore_mem>>)
    %dma_wait3A_321 = arith.constant 0 : i32
    %dma_wait3A_322 = arith.constant 1 : i32
    %dma_wait3A_323 = arith.constant 0 : i32
    %dma_wait3A_324 = arith.constant 0 : i32
    %dma_wait3A_325 = tpu.memref_slice %arg6[%dma_wait3A_321, %dma_wait3A_323, %dma_wait3A_324] : memref<6x400x32xf32, #tpu.memory_space<vmem>> -> memref<1x400x32xf32, #tpu.memory_space<vmem>>
    %dma_wait3A_326 = tpu.memref_squeeze %dma_wait3A_325 : memref<1x400x32xf32, #tpu.memory_space<vmem>> -> memref<400x32xf32, #tpu.memory_space<vmem>>
    %dma_wait3A_327 = arith.constant 0 : i32
    %dma_wait3A_328 = arith.constant 0 : i32
    %dma_wait3A_329 = tpu.memref_slice %arg3[%dma_wait3A_327, %dma_wait3A_328] : memref<1000000x32xf32, #tpu.memory_space<hbm>> -> memref<400x32xf32, #tpu.memory_space<hbm>>
    %dma_wait3A_330 = tpu.memref_slice %arg7[%dma_wait3A_322] : memref<2x!tpu.dma_semaphore, #tpu.memory_space<semaphore_mem>> -> memref<1x!tpu.dma_semaphore, #tpu.memory_space<semaphore_mem>>
    %dma_wait3A_331 = tpu.memref_squeeze %dma_wait3A_330 : memref<1x!tpu.dma_semaphore, #tpu.memory_space<semaphore_mem>> -> memref<!tpu.dma_semaphore, #tpu.memory_space<semaphore_mem>>
    %dma_wait3A_332 = arith.constant 0 : i32
    %dma_wait3A_333 = arith.constant 0 : i32
    %dma_wait3A_334 = tpu.memref_slice %arg6[%dma_wait3A_321, %dma_wait3A_332, %dma_wait3A_333] : memref<6x400x32xf32, #tpu.memory_space<vmem>> -> memref<1x400x32xf32, #tpu.memory_space<vmem>>
    %dma_wait3A_335 = tpu.memref_squeeze %dma_wait3A_334 : memref<1x400x32xf32, #tpu.memory_space<vmem>> -> memref<400x32xf32, #tpu.memory_space<vmem>>
    %dma_wait3A_336 = arith.constant 0 : i32
    %dma_wait3A_337 = arith.constant 0 : i32
    %dma_wait3A_338 = tpu.memref_slice %arg3[%dma_wait3A_336, %dma_wait3A_337] : memref<1000000x32xf32, #tpu.memory_space<hbm>> -> memref<400x32xf32, #tpu.memory_space<hbm>>
    tpu.wait_dma2 semaphore(%dma_wait3A_331 : memref<!tpu.dma_semaphore, #tpu.memory_space<semaphore_mem>>) src(%dma_wait3A_338 : memref<400x32xf32, #tpu.memory_space<hbm>>) dst(%dma_wait3A_335 : memref<400x32xf32, #tpu.memory_space<vmem>>)
    %add3A_339 = arith.constant 2000 : i32
    %add3A_340 = arith.addi %mul3A_2, %add3A_339 : i32
    %dma_start3A_341 = arith.constant 5 : i32
    %dma_start3A_342 = arith.constant 5 : i32
    %dma_start3A_343 = arith.constant 0 : i32
    %dma_start3A_344 = arith.constant 0 : i32
    %dma_start3A_345 = tpu.memref_slice %arg6[%dma_start3A_341, %dma_start3A_343, %dma_start3A_344] : memref<6x400x32xf32, #tpu.memory_space<vmem>> -> memref<1x400x32xf32, #tpu.memory_space<vmem>>
    %dma_start3A_346 = tpu.memref_squeeze %dma_start3A_345 : memref<1x400x32xf32, #tpu.memory_space<vmem>> -> memref<400x32xf32, #tpu.memory_space<vmem>>
    %dma_start3A_347 = arith.constant 0 : i32
    %dma_start3A_348 = tpu.memref_slice %arg4[%add3A_340, %dma_start3A_347] : memref<204800x32xf32, #tpu.memory_space<hbm>> -> memref<400x32xf32, #tpu.memory_space<hbm>>
    %dma_start3A_349 = tpu.memref_slice %arg8[%dma_start3A_342] : memref<6x!tpu.dma_semaphore, #tpu.memory_space<semaphore_mem>> -> memref<1x!tpu.dma_semaphore, #tpu.memory_space<semaphore_mem>>
    %dma_start3A_350 = tpu.memref_squeeze %dma_start3A_349 : memref<1x!tpu.dma_semaphore, #tpu.memory_space<semaphore_mem>> -> memref<!tpu.dma_semaphore, #tpu.memory_space<semaphore_mem>>
    %dma_start3A_351 = arith.constant 0 : i32
    %dma_start3A_352 = tpu.memref_slice %arg4[%add3A_340, %dma_start3A_351] : memref<204800x32xf32, #tpu.memory_space<hbm>> -> memref<400x32xf32, #tpu.memory_space<hbm>>
    %dma_start3A_353 = arith.constant 0 : i32
    %dma_start3A_354 = arith.constant 0 : i32
    %dma_start3A_355 = tpu.memref_slice %arg6[%dma_start3A_341, %dma_start3A_353, %dma_start3A_354] : memref<6x400x32xf32, #tpu.memory_space<vmem>> -> memref<1x400x32xf32, #tpu.memory_space<vmem>>
    %dma_start3A_356 = tpu.memref_squeeze %dma_start3A_355 : memref<1x400x32xf32, #tpu.memory_space<vmem>> -> memref<400x32xf32, #tpu.memory_space<vmem>>
    tpu.enqueue_dma source(%dma_start3A_356 : memref<400x32xf32, #tpu.memory_space<vmem>>) target(%dma_start3A_352 : memref<400x32xf32, #tpu.memory_space<hbm>>) target_semaphore(%dma_start3A_350 : memref<!tpu.dma_semaphore, #tpu.memory_space<semaphore_mem>>)
    %add3A_357 = arith.constant 800 : i32
    %add3A_358 = arith.addi %mul3A_2, %add3A_357 : i32
    %dma_wait3A_359 = arith.constant 2 : i32
    %dma_wait3A_360 = arith.constant 2 : i32
    %dma_wait3A_361 = arith.constant 0 : i32
    %dma_wait3A_362 = arith.constant 0 : i32
    %dma_wait3A_363 = tpu.memref_slice %arg6[%dma_wait3A_359, %dma_wait3A_361, %dma_wait3A_362] : memref<6x400x32xf32, #tpu.memory_space<vmem>> -> memref<1x400x32xf32, #tpu.memory_space<vmem>>
    %dma_wait3A_364 = tpu.memref_squeeze %dma_wait3A_363 : memref<1x400x32xf32, #tpu.memory_space<vmem>> -> memref<400x32xf32, #tpu.memory_space<vmem>>
    %dma_wait3A_365 = arith.constant 0 : i32
    %dma_wait3A_366 = tpu.memref_slice %arg4[%add3A_358, %dma_wait3A_365] : memref<204800x32xf32, #tpu.memory_space<hbm>> -> memref<400x32xf32, #tpu.memory_space<hbm>>
    %dma_wait3A_367 = tpu.memref_slice %arg8[%dma_wait3A_360] : memref<6x!tpu.dma_semaphore, #tpu.memory_space<semaphore_mem>> -> memref<1x!tpu.dma_semaphore, #tpu.memory_space<semaphore_mem>>
    %dma_wait3A_368 = tpu.memref_squeeze %dma_wait3A_367 : memref<1x!tpu.dma_semaphore, #tpu.memory_space<semaphore_mem>> -> memref<!tpu.dma_semaphore, #tpu.memory_space<semaphore_mem>>
    %dma_wait3A_369 = arith.constant 0 : i32
    %dma_wait3A_370 = tpu.memref_slice %arg4[%add3A_358, %dma_wait3A_369] : memref<204800x32xf32, #tpu.memory_space<hbm>> -> memref<400x32xf32, #tpu.memory_space<hbm>>
    %dma_wait3A_371 = arith.constant 0 : i32
    %dma_wait3A_372 = arith.constant 0 : i32
    %dma_wait3A_373 = tpu.memref_slice %arg6[%dma_wait3A_359, %dma_wait3A_371, %dma_wait3A_372] : memref<6x400x32xf32, #tpu.memory_space<vmem>> -> memref<1x400x32xf32, #tpu.memory_space<vmem>>
    %dma_wait3A_374 = tpu.memref_squeeze %dma_wait3A_373 : memref<1x400x32xf32, #tpu.memory_space<vmem>> -> memref<400x32xf32, #tpu.memory_space<vmem>>
    tpu.wait_dma2 semaphore(%dma_wait3A_368 : memref<!tpu.dma_semaphore, #tpu.memory_space<semaphore_mem>>) src(%dma_wait3A_374 : memref<400x32xf32, #tpu.memory_space<vmem>>) dst(%dma_wait3A_370 : memref<400x32xf32, #tpu.memory_space<hbm>>)
    %dma_start3A_375 = arith.constant 2 : i32
    %dma_start3A_376 = arith.constant 0 : i32
    %dma_start3A_377 = arith.constant 0 : i32
    %dma_start3A_378 = arith.constant 0 : i32
    %dma_start3A_379 = tpu.memref_slice %arg6[%dma_start3A_375, %dma_start3A_377, %dma_start3A_378] : memref<6x400x32xf32, #tpu.memory_space<vmem>> -> memref<1x400x32xf32, #tpu.memory_space<vmem>>
    %dma_start3A_380 = tpu.memref_squeeze %dma_start3A_379 : memref<1x400x32xf32, #tpu.memory_space<vmem>> -> memref<400x32xf32, #tpu.memory_space<vmem>>
    %dma_start3A_381 = arith.constant 3200 : i32
    %dma_start3A_382 = tpu.memref_slice %arg5[%dma_start3A_381] : memref<6400xi32, #tpu.memory_space<vmem>> -> memref<400xi32, #tpu.memory_space<vmem>>
    %dma_start3A_383 = arith.constant 0 : i32
    %dma_start3A_384 = arith.constant 0 : i32
    %dma_start3A_385 = tpu.memref_slice %arg3[%dma_start3A_383, %dma_start3A_384] : memref<1000000x32xf32, #tpu.memory_space<hbm>> -> memref<1000000x32xf32, #tpu.memory_space<hbm>>
    %dma_start3A_386 = tpu.memref_slice %arg7[%dma_start3A_376] : memref<2x!tpu.dma_semaphore, #tpu.memory_space<semaphore_mem>> -> memref<1x!tpu.dma_semaphore, #tpu.memory_space<semaphore_mem>>
    %dma_start3A_387 = tpu.memref_squeeze %dma_start3A_386 : memref<1x!tpu.dma_semaphore, #tpu.memory_space<semaphore_mem>> -> memref<!tpu.dma_semaphore, #tpu.memory_space<semaphore_mem>>
    tpu.enqueue_indirect_dma source(%dma_start3A_385 : memref<1000000x32xf32, #tpu.memory_space<hbm>>) target(%dma_start3A_380 : memref<400x32xf32, #tpu.memory_space<vmem>>) offsets(%dma_start3A_382 : memref<400xi32, #tpu.memory_space<vmem>>) semaphore(%dma_start3A_387 : memref<!tpu.dma_semaphore, #tpu.memory_space<semaphore_mem>>)
    %dma_wait3A_388 = arith.constant 0 : i32
    %dma_wait3A_389 = arith.constant 0 : i32
    %dma_wait3A_390 = arith.constant 0 : i32
    %dma_wait3A_391 = arith.constant 0 : i32
    %dma_wait3A_392 = tpu.memref_slice %arg6[%dma_wait3A_388, %dma_wait3A_390, %dma_wait3A_391] : memref<6x400x32xf32, #tpu.memory_space<vmem>> -> memref<1x400x32xf32, #tpu.memory_space<vmem>>
    %dma_wait3A_393 = tpu.memref_squeeze %dma_wait3A_392 : memref<1x400x32xf32, #tpu.memory_space<vmem>> -> memref<400x32xf32, #tpu.memory_space<vmem>>
    %dma_wait3A_394 = arith.constant 0 : i32
    %dma_wait3A_395 = arith.constant 0 : i32
    %dma_wait3A_396 = tpu.memref_slice %arg3[%dma_wait3A_394, %dma_wait3A_395] : memref<1000000x32xf32, #tpu.memory_space<hbm>> -> memref<400x32xf32, #tpu.memory_space<hbm>>
    %dma_wait3A_397 = tpu.memref_slice %arg7[%dma_wait3A_389] : memref<2x!tpu.dma_semaphore, #tpu.memory_space<semaphore_mem>> -> memref<1x!tpu.dma_semaphore, #tpu.memory_space<semaphore_mem>>
    %dma_wait3A_398 = tpu.memref_squeeze %dma_wait3A_397 : memref<1x!tpu.dma_semaphore, #tpu.memory_space<semaphore_mem>> -> memref<!tpu.dma_semaphore, #tpu.memory_space<semaphore_mem>>
    %dma_wait3A_399 = arith.constant 0 : i32
    %dma_wait3A_400 = arith.constant 0 : i32
    %dma_wait3A_401 = tpu.memref_slice %arg6[%dma_wait3A_388, %dma_wait3A_399, %dma_wait3A_400] : memref<6x400x32xf32, #tpu.memory_space<vmem>> -> memref<1x400x32xf32, #tpu.memory_space<vmem>>
    %dma_wait3A_402 = tpu.memref_squeeze %dma_wait3A_401 : memref<1x400x32xf32, #tpu.memory_space<vmem>> -> memref<400x32xf32, #tpu.memory_space<vmem>>
    %dma_wait3A_403 = arith.constant 0 : i32
    %dma_wait3A_404 = arith.constant 0 : i32
    %dma_wait3A_405 = tpu.memref_slice %arg3[%dma_wait3A_403, %dma_wait3A_404] : memref<1000000x32xf32, #tpu.memory_space<hbm>> -> memref<400x32xf32, #tpu.memory_space<hbm>>
    tpu.wait_dma2 semaphore(%dma_wait3A_398 : memref<!tpu.dma_semaphore, #tpu.memory_space<semaphore_mem>>) src(%dma_wait3A_405 : memref<400x32xf32, #tpu.memory_space<hbm>>) dst(%dma_wait3A_402 : memref<400x32xf32, #tpu.memory_space<vmem>>)
    %add3A_406 = arith.constant 2400 : i32
    %add3A_407 = arith.addi %mul3A_2, %add3A_406 : i32
    %dma_start3A_408 = arith.constant 0 : i32
    %dma_start3A_409 = arith.constant 0 : i32
    %dma_start3A_410 = arith.constant 0 : i32
    %dma_start3A_411 = arith.constant 0 : i32
    %dma_start3A_412 = tpu.memref_slice %arg6[%dma_start3A_408, %dma_start3A_410, %dma_start3A_411] : memref<6x400x32xf32, #tpu.memory_space<vmem>> -> memref<1x400x32xf32, #tpu.memory_space<vmem>>
    %dma_start3A_413 = tpu.memref_squeeze %dma_start3A_412 : memref<1x400x32xf32, #tpu.memory_space<vmem>> -> memref<400x32xf32, #tpu.memory_space<vmem>>
    %dma_start3A_414 = arith.constant 0 : i32
    %dma_start3A_415 = tpu.memref_slice %arg4[%add3A_407, %dma_start3A_414] : memref<204800x32xf32, #tpu.memory_space<hbm>> -> memref<400x32xf32, #tpu.memory_space<hbm>>
    %dma_start3A_416 = tpu.memref_slice %arg8[%dma_start3A_409] : memref<6x!tpu.dma_semaphore, #tpu.memory_space<semaphore_mem>> -> memref<1x!tpu.dma_semaphore, #tpu.memory_space<semaphore_mem>>
    %dma_start3A_417 = tpu.memref_squeeze %dma_start3A_416 : memref<1x!tpu.dma_semaphore, #tpu.memory_space<semaphore_mem>> -> memref<!tpu.dma_semaphore, #tpu.memory_space<semaphore_mem>>
    %dma_start3A_418 = arith.constant 0 : i32
    %dma_start3A_419 = tpu.memref_slice %arg4[%add3A_407, %dma_start3A_418] : memref<204800x32xf32, #tpu.memory_space<hbm>> -> memref<400x32xf32, #tpu.memory_space<hbm>>
    %dma_start3A_420 = arith.constant 0 : i32
    %dma_start3A_421 = arith.constant 0 : i32
    %dma_start3A_422 = tpu.memref_slice %arg6[%dma_start3A_408, %dma_start3A_420, %dma_start3A_421] : memref<6x400x32xf32, #tpu.memory_space<vmem>> -> memref<1x400x32xf32, #tpu.memory_space<vmem>>
    %dma_start3A_423 = tpu.memref_squeeze %dma_start3A_422 : memref<1x400x32xf32, #tpu.memory_space<vmem>> -> memref<400x32xf32, #tpu.memory_space<vmem>>
    tpu.enqueue_dma source(%dma_start3A_423 : memref<400x32xf32, #tpu.memory_space<vmem>>) target(%dma_start3A_419 : memref<400x32xf32, #tpu.memory_space<hbm>>) target_semaphore(%dma_start3A_417 : memref<!tpu.dma_semaphore, #tpu.memory_space<semaphore_mem>>)
    %add3A_424 = arith.constant 1200 : i32
    %add3A_425 = arith.addi %mul3A_2, %add3A_424 : i32
    %dma_wait3A_426 = arith.constant 3 : i32
    %dma_wait3A_427 = arith.constant 3 : i32
    %dma_wait3A_428 = arith.constant 0 : i32
    %dma_wait3A_429 = arith.constant 0 : i32
    %dma_wait3A_430 = tpu.memref_slice %arg6[%dma_wait3A_426, %dma_wait3A_428, %dma_wait3A_429] : memref<6x400x32xf32, #tpu.memory_space<vmem>> -> memref<1x400x32xf32, #tpu.memory_space<vmem>>
    %dma_wait3A_431 = tpu.memref_squeeze %dma_wait3A_430 : memref<1x400x32xf32, #tpu.memory_space<vmem>> -> memref<400x32xf32, #tpu.memory_space<vmem>>
    %dma_wait3A_432 = arith.constant 0 : i32
    %dma_wait3A_433 = tpu.memref_slice %arg4[%add3A_425, %dma_wait3A_432] : memref<204800x32xf32, #tpu.memory_space<hbm>> -> memref<400x32xf32, #tpu.memory_space<hbm>>
    %dma_wait3A_434 = tpu.memref_slice %arg8[%dma_wait3A_427] : memref<6x!tpu.dma_semaphore, #tpu.memory_space<semaphore_mem>> -> memref<1x!tpu.dma_semaphore, #tpu.memory_space<semaphore_mem>>
    %dma_wait3A_435 = tpu.memref_squeeze %dma_wait3A_434 : memref<1x!tpu.dma_semaphore, #tpu.memory_space<semaphore_mem>> -> memref<!tpu.dma_semaphore, #tpu.memory_space<semaphore_mem>>
    %dma_wait3A_436 = arith.constant 0 : i32
    %dma_wait3A_437 = tpu.memref_slice %arg4[%add3A_425, %dma_wait3A_436] : memref<204800x32xf32, #tpu.memory_space<hbm>> -> memref<400x32xf32, #tpu.memory_space<hbm>>
    %dma_wait3A_438 = arith.constant 0 : i32
    %dma_wait3A_439 = arith.constant 0 : i32
    %dma_wait3A_440 = tpu.memref_slice %arg6[%dma_wait3A_426, %dma_wait3A_438, %dma_wait3A_439] : memref<6x400x32xf32, #tpu.memory_space<vmem>> -> memref<1x400x32xf32, #tpu.memory_space<vmem>>
    %dma_wait3A_441 = tpu.memref_squeeze %dma_wait3A_440 : memref<1x400x32xf32, #tpu.memory_space<vmem>> -> memref<400x32xf32, #tpu.memory_space<vmem>>
    tpu.wait_dma2 semaphore(%dma_wait3A_435 : memref<!tpu.dma_semaphore, #tpu.memory_space<semaphore_mem>>) src(%dma_wait3A_441 : memref<400x32xf32, #tpu.memory_space<vmem>>) dst(%dma_wait3A_437 : memref<400x32xf32, #tpu.memory_space<hbm>>)
    %dma_start3A_442 = arith.constant 3 : i32
    %dma_start3A_443 = arith.constant 1 : i32
    %dma_start3A_444 = arith.constant 0 : i32
    %dma_start3A_445 = arith.constant 0 : i32
    %dma_start3A_446 = tpu.memref_slice %arg6[%dma_start3A_442, %dma_start3A_444, %dma_start3A_445] : memref<6x400x32xf32, #tpu.memory_space<vmem>> -> memref<1x400x32xf32, #tpu.memory_space<vmem>>
    %dma_start3A_447 = tpu.memref_squeeze %dma_start3A_446 : memref<1x400x32xf32, #tpu.memory_space<vmem>> -> memref<400x32xf32, #tpu.memory_space<vmem>>
    %dma_start3A_448 = arith.constant 3600 : i32
    %dma_start3A_449 = tpu.memref_slice %arg5[%dma_start3A_448] : memref<6400xi32, #tpu.memory_space<vmem>> -> memref<400xi32, #tpu.memory_space<vmem>>
    %dma_start3A_450 = arith.constant 0 : i32
    %dma_start3A_451 = arith.constant 0 : i32
    %dma_start3A_452 = tpu.memref_slice %arg3[%dma_start3A_450, %dma_start3A_451] : memref<1000000x32xf32, #tpu.memory_space<hbm>> -> memref<1000000x32xf32, #tpu.memory_space<hbm>>
    %dma_start3A_453 = tpu.memref_slice %arg7[%dma_start3A_443] : memref<2x!tpu.dma_semaphore, #tpu.memory_space<semaphore_mem>> -> memref<1x!tpu.dma_semaphore, #tpu.memory_space<semaphore_mem>>
    %dma_start3A_454 = tpu.memref_squeeze %dma_start3A_453 : memref<1x!tpu.dma_semaphore, #tpu.memory_space<semaphore_mem>> -> memref<!tpu.dma_semaphore, #tpu.memory_space<semaphore_mem>>
    tpu.enqueue_indirect_dma source(%dma_start3A_452 : memref<1000000x32xf32, #tpu.memory_space<hbm>>) target(%dma_start3A_447 : memref<400x32xf32, #tpu.memory_space<vmem>>) offsets(%dma_start3A_449 : memref<400xi32, #tpu.memory_space<vmem>>) semaphore(%dma_start3A_454 : memref<!tpu.dma_semaphore, #tpu.memory_space<semaphore_mem>>)
    %dma_wait3A_455 = arith.constant 0 : i32
    %dma_wait3A_456 = arith.constant 1 : i32
    %dma_wait3A_457 = arith.constant 0 : i32
    %dma_wait3A_458 = arith.constant 0 : i32
    %dma_wait3A_459 = tpu.memref_slice %arg6[%dma_wait3A_455, %dma_wait3A_457, %dma_wait3A_458] : memref<6x400x32xf32, #tpu.memory_space<vmem>> -> memref<1x400x32xf32, #tpu.memory_space<vmem>>
    %dma_wait3A_460 = tpu.memref_squeeze %dma_wait3A_459 : memref<1x400x32xf32, #tpu.memory_space<vmem>> -> memref<400x32xf32, #tpu.memory_space<vmem>>
    %dma_wait3A_461 = arith.constant 0 : i32
    %dma_wait3A_462 = arith.constant 0 : i32
    %dma_wait3A_463 = tpu.memref_slice %arg3[%dma_wait3A_461, %dma_wait3A_462] : memref<1000000x32xf32, #tpu.memory_space<hbm>> -> memref<400x32xf32, #tpu.memory_space<hbm>>
    %dma_wait3A_464 = tpu.memref_slice %arg7[%dma_wait3A_456] : memref<2x!tpu.dma_semaphore, #tpu.memory_space<semaphore_mem>> -> memref<1x!tpu.dma_semaphore, #tpu.memory_space<semaphore_mem>>
    %dma_wait3A_465 = tpu.memref_squeeze %dma_wait3A_464 : memref<1x!tpu.dma_semaphore, #tpu.memory_space<semaphore_mem>> -> memref<!tpu.dma_semaphore, #tpu.memory_space<semaphore_mem>>
    %dma_wait3A_466 = arith.constant 0 : i32
    %dma_wait3A_467 = arith.constant 0 : i32
    %dma_wait3A_468 = tpu.memref_slice %arg6[%dma_wait3A_455, %dma_wait3A_466, %dma_wait3A_467] : memref<6x400x32xf32, #tpu.memory_space<vmem>> -> memref<1x400x32xf32, #tpu.memory_space<vmem>>
    %dma_wait3A_469 = tpu.memref_squeeze %dma_wait3A_468 : memref<1x400x32xf32, #tpu.memory_space<vmem>> -> memref<400x32xf32, #tpu.memory_space<vmem>>
    %dma_wait3A_470 = arith.constant 0 : i32
    %dma_wait3A_471 = arith.constant 0 : i32
    %dma_wait3A_472 = tpu.memref_slice %arg3[%dma_wait3A_470, %dma_wait3A_471] : memref<1000000x32xf32, #tpu.memory_space<hbm>> -> memref<400x32xf32, #tpu.memory_space<hbm>>
    tpu.wait_dma2 semaphore(%dma_wait3A_465 : memref<!tpu.dma_semaphore, #tpu.memory_space<semaphore_mem>>) src(%dma_wait3A_472 : memref<400x32xf32, #tpu.memory_space<hbm>>) dst(%dma_wait3A_469 : memref<400x32xf32, #tpu.memory_space<vmem>>)
    %add3A_473 = arith.constant 2800 : i32
    %add3A_474 = arith.addi %mul3A_2, %add3A_473 : i32
    %dma_start3A_475 = arith.constant 1 : i32
    %dma_start3A_476 = arith.constant 1 : i32
    %dma_start3A_477 = arith.constant 0 : i32
    %dma_start3A_478 = arith.constant 0 : i32
    %dma_start3A_479 = tpu.memref_slice %arg6[%dma_start3A_475, %dma_start3A_477, %dma_start3A_478] : memref<6x400x32xf32, #tpu.memory_space<vmem>> -> memref<1x400x32xf32, #tpu.memory_space<vmem>>
    %dma_start3A_480 = tpu.memref_squeeze %dma_start3A_479 : memref<1x400x32xf32, #tpu.memory_space<vmem>> -> memref<400x32xf32, #tpu.memory_space<vmem>>
    %dma_start3A_481 = arith.constant 0 : i32
    %dma_start3A_482 = tpu.memref_slice %arg4[%add3A_474, %dma_start3A_481] : memref<204800x32xf32, #tpu.memory_space<hbm>> -> memref<400x32xf32, #tpu.memory_space<hbm>>
    %dma_start3A_483 = tpu.memref_slice %arg8[%dma_start3A_476] : memref<6x!tpu.dma_semaphore, #tpu.memory_space<semaphore_mem>> -> memref<1x!tpu.dma_semaphore, #tpu.memory_space<semaphore_mem>>
    %dma_start3A_484 = tpu.memref_squeeze %dma_start3A_483 : memref<1x!tpu.dma_semaphore, #tpu.memory_space<semaphore_mem>> -> memref<!tpu.dma_semaphore, #tpu.memory_space<semaphore_mem>>
    %dma_start3A_485 = arith.constant 0 : i32
    %dma_start3A_486 = tpu.memref_slice %arg4[%add3A_474, %dma_start3A_485] : memref<204800x32xf32, #tpu.memory_space<hbm>> -> memref<400x32xf32, #tpu.memory_space<hbm>>
    %dma_start3A_487 = arith.constant 0 : i32
    %dma_start3A_488 = arith.constant 0 : i32
    %dma_start3A_489 = tpu.memref_slice %arg6[%dma_start3A_475, %dma_start3A_487, %dma_start3A_488] : memref<6x400x32xf32, #tpu.memory_space<vmem>> -> memref<1x400x32xf32, #tpu.memory_space<vmem>>
    %dma_start3A_490 = tpu.memref_squeeze %dma_start3A_489 : memref<1x400x32xf32, #tpu.memory_space<vmem>> -> memref<400x32xf32, #tpu.memory_space<vmem>>
    tpu.enqueue_dma source(%dma_start3A_490 : memref<400x32xf32, #tpu.memory_space<vmem>>) target(%dma_start3A_486 : memref<400x32xf32, #tpu.memory_space<hbm>>) target_semaphore(%dma_start3A_484 : memref<!tpu.dma_semaphore, #tpu.memory_space<semaphore_mem>>)
    %add3A_491 = arith.constant 1600 : i32
    %add3A_492 = arith.addi %mul3A_2, %add3A_491 : i32
    %dma_wait3A_493 = arith.constant 4 : i32
    %dma_wait3A_494 = arith.constant 4 : i32
    %dma_wait3A_495 = arith.constant 0 : i32
    %dma_wait3A_496 = arith.constant 0 : i32
    %dma_wait3A_497 = tpu.memref_slice %arg6[%dma_wait3A_493, %dma_wait3A_495, %dma_wait3A_496] : memref<6x400x32xf32, #tpu.memory_space<vmem>> -> memref<1x400x32xf32, #tpu.memory_space<vmem>>
    %dma_wait3A_498 = tpu.memref_squeeze %dma_wait3A_497 : memref<1x400x32xf32, #tpu.memory_space<vmem>> -> memref<400x32xf32, #tpu.memory_space<vmem>>
    %dma_wait3A_499 = arith.constant 0 : i32
    %dma_wait3A_500 = tpu.memref_slice %arg4[%add3A_492, %dma_wait3A_499] : memref<204800x32xf32, #tpu.memory_space<hbm>> -> memref<400x32xf32, #tpu.memory_space<hbm>>
    %dma_wait3A_501 = tpu.memref_slice %arg8[%dma_wait3A_494] : memref<6x!tpu.dma_semaphore, #tpu.memory_space<semaphore_mem>> -> memref<1x!tpu.dma_semaphore, #tpu.memory_space<semaphore_mem>>
    %dma_wait3A_502 = tpu.memref_squeeze %dma_wait3A_501 : memref<1x!tpu.dma_semaphore, #tpu.memory_space<semaphore_mem>> -> memref<!tpu.dma_semaphore, #tpu.memory_space<semaphore_mem>>
    %dma_wait3A_503 = arith.constant 0 : i32
    %dma_wait3A_504 = tpu.memref_slice %arg4[%add3A_492, %dma_wait3A_503] : memref<204800x32xf32, #tpu.memory_space<hbm>> -> memref<400x32xf32, #tpu.memory_space<hbm>>
    %dma_wait3A_505 = arith.constant 0 : i32
    %dma_wait3A_506 = arith.constant 0 : i32
    %dma_wait3A_507 = tpu.memref_slice %arg6[%dma_wait3A_493, %dma_wait3A_505, %dma_wait3A_506] : memref<6x400x32xf32, #tpu.memory_space<vmem>> -> memref<1x400x32xf32, #tpu.memory_space<vmem>>
    %dma_wait3A_508 = tpu.memref_squeeze %dma_wait3A_507 : memref<1x400x32xf32, #tpu.memory_space<vmem>> -> memref<400x32xf32, #tpu.memory_space<vmem>>
    tpu.wait_dma2 semaphore(%dma_wait3A_502 : memref<!tpu.dma_semaphore, #tpu.memory_space<semaphore_mem>>) src(%dma_wait3A_508 : memref<400x32xf32, #tpu.memory_space<vmem>>) dst(%dma_wait3A_504 : memref<400x32xf32, #tpu.memory_space<hbm>>)
    %dma_start3A_509 = arith.constant 4 : i32
    %dma_start3A_510 = arith.constant 0 : i32
    %dma_start3A_511 = arith.constant 0 : i32
    %dma_start3A_512 = arith.constant 0 : i32
    %dma_start3A_513 = tpu.memref_slice %arg6[%dma_start3A_509, %dma_start3A_511, %dma_start3A_512] : memref<6x400x32xf32, #tpu.memory_space<vmem>> -> memref<1x400x32xf32, #tpu.memory_space<vmem>>
    %dma_start3A_514 = tpu.memref_squeeze %dma_start3A_513 : memref<1x400x32xf32, #tpu.memory_space<vmem>> -> memref<400x32xf32, #tpu.memory_space<vmem>>
    %dma_start3A_515 = arith.constant 4000 : i32
    %dma_start3A_516 = tpu.memref_slice %arg5[%dma_start3A_515] : memref<6400xi32, #tpu.memory_space<vmem>> -> memref<400xi32, #tpu.memory_space<vmem>>
    %dma_start3A_517 = arith.constant 0 : i32
    %dma_start3A_518 = arith.constant 0 : i32
    %dma_start3A_519 = tpu.memref_slice %arg3[%dma_start3A_517, %dma_start3A_518] : memref<1000000x32xf32, #tpu.memory_space<hbm>> -> memref<1000000x32xf32, #tpu.memory_space<hbm>>
    %dma_start3A_520 = tpu.memref_slice %arg7[%dma_start3A_510] : memref<2x!tpu.dma_semaphore, #tpu.memory_space<semaphore_mem>> -> memref<1x!tpu.dma_semaphore, #tpu.memory_space<semaphore_mem>>
    %dma_start3A_521 = tpu.memref_squeeze %dma_start3A_520 : memref<1x!tpu.dma_semaphore, #tpu.memory_space<semaphore_mem>> -> memref<!tpu.dma_semaphore, #tpu.memory_space<semaphore_mem>>
    tpu.enqueue_indirect_dma source(%dma_start3A_519 : memref<1000000x32xf32, #tpu.memory_space<hbm>>) target(%dma_start3A_514 : memref<400x32xf32, #tpu.memory_space<vmem>>) offsets(%dma_start3A_516 : memref<400xi32, #tpu.memory_space<vmem>>) semaphore(%dma_start3A_521 : memref<!tpu.dma_semaphore, #tpu.memory_space<semaphore_mem>>)
    %dma_wait3A_522 = arith.constant 0 : i32
    %dma_wait3A_523 = arith.constant 0 : i32
    %dma_wait3A_524 = arith.constant 0 : i32
    %dma_wait3A_525 = arith.constant 0 : i32
    %dma_wait3A_526 = tpu.memref_slice %arg6[%dma_wait3A_522, %dma_wait3A_524, %dma_wait3A_525] : memref<6x400x32xf32, #tpu.memory_space<vmem>> -> memref<1x400x32xf32, #tpu.memory_space<vmem>>
    %dma_wait3A_527 = tpu.memref_squeeze %dma_wait3A_526 : memref<1x400x32xf32, #tpu.memory_space<vmem>> -> memref<400x32xf32, #tpu.memory_space<vmem>>
    %dma_wait3A_528 = arith.constant 0 : i32
    %dma_wait3A_529 = arith.constant 0 : i32
    %dma_wait3A_530 = tpu.memref_slice %arg3[%dma_wait3A_528, %dma_wait3A_529] : memref<1000000x32xf32, #tpu.memory_space<hbm>> -> memref<400x32xf32, #tpu.memory_space<hbm>>
    %dma_wait3A_531 = tpu.memref_slice %arg7[%dma_wait3A_523] : memref<2x!tpu.dma_semaphore, #tpu.memory_space<semaphore_mem>> -> memref<1x!tpu.dma_semaphore, #tpu.memory_space<semaphore_mem>>
    %dma_wait3A_532 = tpu.memref_squeeze %dma_wait3A_531 : memref<1x!tpu.dma_semaphore, #tpu.memory_space<semaphore_mem>> -> memref<!tpu.dma_semaphore, #tpu.memory_space<semaphore_mem>>
    %dma_wait3A_533 = arith.constant 0 : i32
    %dma_wait3A_534 = arith.constant 0 : i32
    %dma_wait3A_535 = tpu.memref_slice %arg6[%dma_wait3A_522, %dma_wait3A_533, %dma_wait3A_534] : memref<6x400x32xf32, #tpu.memory_space<vmem>> -> memref<1x400x32xf32, #tpu.memory_space<vmem>>
    %dma_wait3A_536 = tpu.memref_squeeze %dma_wait3A_535 : memref<1x400x32xf32, #tpu.memory_space<vmem>> -> memref<400x32xf32, #tpu.memory_space<vmem>>
    %dma_wait3A_537 = arith.constant 0 : i32
    %dma_wait3A_538 = arith.constant 0 : i32
    %dma_wait3A_539 = tpu.memref_slice %arg3[%dma_wait3A_537, %dma_wait3A_538] : memref<1000000x32xf32, #tpu.memory_space<hbm>> -> memref<400x32xf32, #tpu.memory_space<hbm>>
    tpu.wait_dma2 semaphore(%dma_wait3A_532 : memref<!tpu.dma_semaphore, #tpu.memory_space<semaphore_mem>>) src(%dma_wait3A_539 : memref<400x32xf32, #tpu.memory_space<hbm>>) dst(%dma_wait3A_536 : memref<400x32xf32, #tpu.memory_space<vmem>>)
    %add3A_540 = arith.constant 3200 : i32
    %add3A_541 = arith.addi %mul3A_2, %add3A_540 : i32
    %dma_start3A_542 = arith.constant 2 : i32
    %dma_start3A_543 = arith.constant 2 : i32
    %dma_start3A_544 = arith.constant 0 : i32
    %dma_start3A_545 = arith.constant 0 : i32
    %dma_start3A_546 = tpu.memref_slice %arg6[%dma_start3A_542, %dma_start3A_544, %dma_start3A_545] : memref<6x400x32xf32, #tpu.memory_space<vmem>> -> memref<1x400x32xf32, #tpu.memory_space<vmem>>
    %dma_start3A_547 = tpu.memref_squeeze %dma_start3A_546 : memref<1x400x32xf32, #tpu.memory_space<vmem>> -> memref<400x32xf32, #tpu.memory_space<vmem>>
    %dma_start3A_548 = arith.constant 0 : i32
    %dma_start3A_549 = tpu.memref_slice %arg4[%add3A_541, %dma_start3A_548] : memref<204800x32xf32, #tpu.memory_space<hbm>> -> memref<400x32xf32, #tpu.memory_space<hbm>>
    %dma_start3A_550 = tpu.memref_slice %arg8[%dma_start3A_543] : memref<6x!tpu.dma_semaphore, #tpu.memory_space<semaphore_mem>> -> memref<1x!tpu.dma_semaphore, #tpu.memory_space<semaphore_mem>>
    %dma_start3A_551 = tpu.memref_squeeze %dma_start3A_550 : memref<1x!tpu.dma_semaphore, #tpu.memory_space<semaphore_mem>> -> memref<!tpu.dma_semaphore, #tpu.memory_space<semaphore_mem>>
    %dma_start3A_552 = arith.constant 0 : i32
    %dma_start3A_553 = tpu.memref_slice %arg4[%add3A_541, %dma_start3A_552] : memref<204800x32xf32, #tpu.memory_space<hbm>> -> memref<400x32xf32, #tpu.memory_space<hbm>>
    %dma_start3A_554 = arith.constant 0 : i32
    %dma_start3A_555 = arith.constant 0 : i32
    %dma_start3A_556 = tpu.memref_slice %arg6[%dma_start3A_542, %dma_start3A_554, %dma_start3A_555] : memref<6x400x32xf32, #tpu.memory_space<vmem>> -> memref<1x400x32xf32, #tpu.memory_space<vmem>>
    %dma_start3A_557 = tpu.memref_squeeze %dma_start3A_556 : memref<1x400x32xf32, #tpu.memory_space<vmem>> -> memref<400x32xf32, #tpu.memory_space<vmem>>
    tpu.enqueue_dma source(%dma_start3A_557 : memref<400x32xf32, #tpu.memory_space<vmem>>) target(%dma_start3A_553 : memref<400x32xf32, #tpu.memory_space<hbm>>) target_semaphore(%dma_start3A_551 : memref<!tpu.dma_semaphore, #tpu.memory_space<semaphore_mem>>)
    %add3A_558 = arith.constant 2000 : i32
    %add3A_559 = arith.addi %mul3A_2, %add3A_558 : i32
    %dma_wait3A_560 = arith.constant 5 : i32
    %dma_wait3A_561 = arith.constant 5 : i32
    %dma_wait3A_562 = arith.constant 0 : i32
    %dma_wait3A_563 = arith.constant 0 : i32
    %dma_wait3A_564 = tpu.memref_slice %arg6[%dma_wait3A_560, %dma_wait3A_562, %dma_wait3A_563] : memref<6x400x32xf32, #tpu.memory_space<vmem>> -> memref<1x400x32xf32, #tpu.memory_space<vmem>>
    %dma_wait3A_565 = tpu.memref_squeeze %dma_wait3A_564 : memref<1x400x32xf32, #tpu.memory_space<vmem>> -> memref<400x32xf32, #tpu.memory_space<vmem>>
    %dma_wait3A_566 = arith.constant 0 : i32
    %dma_wait3A_567 = tpu.memref_slice %arg4[%add3A_559, %dma_wait3A_566] : memref<204800x32xf32, #tpu.memory_space<hbm>> -> memref<400x32xf32, #tpu.memory_space<hbm>>
    %dma_wait3A_568 = tpu.memref_slice %arg8[%dma_wait3A_561] : memref<6x!tpu.dma_semaphore, #tpu.memory_space<semaphore_mem>> -> memref<1x!tpu.dma_semaphore, #tpu.memory_space<semaphore_mem>>
    %dma_wait3A_569 = tpu.memref_squeeze %dma_wait3A_568 : memref<1x!tpu.dma_semaphore, #tpu.memory_space<semaphore_mem>> -> memref<!tpu.dma_semaphore, #tpu.memory_space<semaphore_mem>>
    %dma_wait3A_570 = arith.constant 0 : i32
    %dma_wait3A_571 = tpu.memref_slice %arg4[%add3A_559, %dma_wait3A_570] : memref<204800x32xf32, #tpu.memory_space<hbm>> -> memref<400x32xf32, #tpu.memory_space<hbm>>
    %dma_wait3A_572 = arith.constant 0 : i32
    %dma_wait3A_573 = arith.constant 0 : i32
    %dma_wait3A_574 = tpu.memref_slice %arg6[%dma_wait3A_560, %dma_wait3A_572, %dma_wait3A_573] : memref<6x400x32xf32, #tpu.memory_space<vmem>> -> memref<1x400x32xf32, #tpu.memory_space<vmem>>
    %dma_wait3A_575 = tpu.memref_squeeze %dma_wait3A_574 : memref<1x400x32xf32, #tpu.memory_space<vmem>> -> memref<400x32xf32, #tpu.memory_space<vmem>>
    tpu.wait_dma2 semaphore(%dma_wait3A_569 : memref<!tpu.dma_semaphore, #tpu.memory_space<semaphore_mem>>) src(%dma_wait3A_575 : memref<400x32xf32, #tpu.memory_space<vmem>>) dst(%dma_wait3A_571 : memref<400x32xf32, #tpu.memory_space<hbm>>)
    %dma_start3A_576 = arith.constant 5 : i32
    %dma_start3A_577 = arith.constant 1 : i32
    %dma_start3A_578 = arith.constant 0 : i32
    %dma_start3A_579 = arith.constant 0 : i32
    %dma_start3A_580 = tpu.memref_slice %arg6[%dma_start3A_576, %dma_start3A_578, %dma_start3A_579] : memref<6x400x32xf32, #tpu.memory_space<vmem>> -> memref<1x400x32xf32, #tpu.memory_space<vmem>>
    %dma_start3A_581 = tpu.memref_squeeze %dma_start3A_580 : memref<1x400x32xf32, #tpu.memory_space<vmem>> -> memref<400x32xf32, #tpu.memory_space<vmem>>
    %dma_start3A_582 = arith.constant 4400 : i32
    %dma_start3A_583 = tpu.memref_slice %arg5[%dma_start3A_582] : memref<6400xi32, #tpu.memory_space<vmem>> -> memref<400xi32, #tpu.memory_space<vmem>>
    %dma_start3A_584 = arith.constant 0 : i32
    %dma_start3A_585 = arith.constant 0 : i32
    %dma_start3A_586 = tpu.memref_slice %arg3[%dma_start3A_584, %dma_start3A_585] : memref<1000000x32xf32, #tpu.memory_space<hbm>> -> memref<1000000x32xf32, #tpu.memory_space<hbm>>
    %dma_start3A_587 = tpu.memref_slice %arg7[%dma_start3A_577] : memref<2x!tpu.dma_semaphore, #tpu.memory_space<semaphore_mem>> -> memref<1x!tpu.dma_semaphore, #tpu.memory_space<semaphore_mem>>
    %dma_start3A_588 = tpu.memref_squeeze %dma_start3A_587 : memref<1x!tpu.dma_semaphore, #tpu.memory_space<semaphore_mem>> -> memref<!tpu.dma_semaphore, #tpu.memory_space<semaphore_mem>>
    tpu.enqueue_indirect_dma source(%dma_start3A_586 : memref<1000000x32xf32, #tpu.memory_space<hbm>>) target(%dma_start3A_581 : memref<400x32xf32, #tpu.memory_space<vmem>>) offsets(%dma_start3A_583 : memref<400xi32, #tpu.memory_space<vmem>>) semaphore(%dma_start3A_588 : memref<!tpu.dma_semaphore, #tpu.memory_space<semaphore_mem>>)
    %dma_wait3A_589 = arith.constant 0 : i32
    %dma_wait3A_590 = arith.constant 1 : i32
    %dma_wait3A_591 = arith.constant 0 : i32
    %dma_wait3A_592 = arith.constant 0 : i32
    %dma_wait3A_593 = tpu.memref_slice %arg6[%dma_wait3A_589, %dma_wait3A_591, %dma_wait3A_592] : memref<6x400x32xf32, #tpu.memory_space<vmem>> -> memref<1x400x32xf32, #tpu.memory_space<vmem>>
    %dma_wait3A_594 = tpu.memref_squeeze %dma_wait3A_593 : memref<1x400x32xf32, #tpu.memory_space<vmem>> -> memref<400x32xf32, #tpu.memory_space<vmem>>
    %dma_wait3A_595 = arith.constant 0 : i32
    %dma_wait3A_596 = arith.constant 0 : i32
    %dma_wait3A_597 = tpu.memref_slice %arg3[%dma_wait3A_595, %dma_wait3A_596] : memref<1000000x32xf32, #tpu.memory_space<hbm>> -> memref<400x32xf32, #tpu.memory_space<hbm>>
    %dma_wait3A_598 = tpu.memref_slice %arg7[%dma_wait3A_590] : memref<2x!tpu.dma_semaphore, #tpu.memory_space<semaphore_mem>> -> memref<1x!tpu.dma_semaphore, #tpu.memory_space<semaphore_mem>>
    %dma_wait3A_599 = tpu.memref_squeeze %dma_wait3A_598 : memref<1x!tpu.dma_semaphore, #tpu.memory_space<semaphore_mem>> -> memref<!tpu.dma_semaphore, #tpu.memory_space<semaphore_mem>>
    %dma_wait3A_600 = arith.constant 0 : i32
    %dma_wait3A_601 = arith.constant 0 : i32
    %dma_wait3A_602 = tpu.memref_slice %arg6[%dma_wait3A_589, %dma_wait3A_600, %dma_wait3A_601] : memref<6x400x32xf32, #tpu.memory_space<vmem>> -> memref<1x400x32xf32, #tpu.memory_space<vmem>>
    %dma_wait3A_603 = tpu.memref_squeeze %dma_wait3A_602 : memref<1x400x32xf32, #tpu.memory_space<vmem>> -> memref<400x32xf32, #tpu.memory_space<vmem>>
    %dma_wait3A_604 = arith.constant 0 : i32
    %dma_wait3A_605 = arith.constant 0 : i32
    %dma_wait3A_606 = tpu.memref_slice %arg3[%dma_wait3A_604, %dma_wait3A_605] : memref<1000000x32xf32, #tpu.memory_space<hbm>> -> memref<400x32xf32, #tpu.memory_space<hbm>>
    tpu.wait_dma2 semaphore(%dma_wait3A_599 : memref<!tpu.dma_semaphore, #tpu.memory_space<semaphore_mem>>) src(%dma_wait3A_606 : memref<400x32xf32, #tpu.memory_space<hbm>>) dst(%dma_wait3A_603 : memref<400x32xf32, #tpu.memory_space<vmem>>)
    %add3A_607 = arith.constant 3600 : i32
    %add3A_608 = arith.addi %mul3A_2, %add3A_607 : i32
    %dma_start3A_609 = arith.constant 3 : i32
    %dma_start3A_610 = arith.constant 3 : i32
    %dma_start3A_611 = arith.constant 0 : i32
    %dma_start3A_612 = arith.constant 0 : i32
    %dma_start3A_613 = tpu.memref_slice %arg6[%dma_start3A_609, %dma_start3A_611, %dma_start3A_612] : memref<6x400x32xf32, #tpu.memory_space<vmem>> -> memref<1x400x32xf32, #tpu.memory_space<vmem>>
    %dma_start3A_614 = tpu.memref_squeeze %dma_start3A_613 : memref<1x400x32xf32, #tpu.memory_space<vmem>> -> memref<400x32xf32, #tpu.memory_space<vmem>>
    %dma_start3A_615 = arith.constant 0 : i32
    %dma_start3A_616 = tpu.memref_slice %arg4[%add3A_608, %dma_start3A_615] : memref<204800x32xf32, #tpu.memory_space<hbm>> -> memref<400x32xf32, #tpu.memory_space<hbm>>
    %dma_start3A_617 = tpu.memref_slice %arg8[%dma_start3A_610] : memref<6x!tpu.dma_semaphore, #tpu.memory_space<semaphore_mem>> -> memref<1x!tpu.dma_semaphore, #tpu.memory_space<semaphore_mem>>
    %dma_start3A_618 = tpu.memref_squeeze %dma_start3A_617 : memref<1x!tpu.dma_semaphore, #tpu.memory_space<semaphore_mem>> -> memref<!tpu.dma_semaphore, #tpu.memory_space<semaphore_mem>>
    %dma_start3A_619 = arith.constant 0 : i32
    %dma_start3A_620 = tpu.memref_slice %arg4[%add3A_608, %dma_start3A_619] : memref<204800x32xf32, #tpu.memory_space<hbm>> -> memref<400x32xf32, #tpu.memory_space<hbm>>
    %dma_start3A_621 = arith.constant 0 : i32
    %dma_start3A_622 = arith.constant 0 : i32
    %dma_start3A_623 = tpu.memref_slice %arg6[%dma_start3A_609, %dma_start3A_621, %dma_start3A_622] : memref<6x400x32xf32, #tpu.memory_space<vmem>> -> memref<1x400x32xf32, #tpu.memory_space<vmem>>
    %dma_start3A_624 = tpu.memref_squeeze %dma_start3A_623 : memref<1x400x32xf32, #tpu.memory_space<vmem>> -> memref<400x32xf32, #tpu.memory_space<vmem>>
    tpu.enqueue_dma source(%dma_start3A_624 : memref<400x32xf32, #tpu.memory_space<vmem>>) target(%dma_start3A_620 : memref<400x32xf32, #tpu.memory_space<hbm>>) target_semaphore(%dma_start3A_618 : memref<!tpu.dma_semaphore, #tpu.memory_space<semaphore_mem>>)
    %add3A_625 = arith.constant 2400 : i32
    %add3A_626 = arith.addi %mul3A_2, %add3A_625 : i32
    %dma_wait3A_627 = arith.constant 0 : i32
    %dma_wait3A_628 = arith.constant 0 : i32
    %dma_wait3A_629 = arith.constant 0 : i32
    %dma_wait3A_630 = arith.constant 0 : i32
    %dma_wait3A_631 = tpu.memref_slice %arg6[%dma_wait3A_627, %dma_wait3A_629, %dma_wait3A_630] : memref<6x400x32xf32, #tpu.memory_space<vmem>> -> memref<1x400x32xf32, #tpu.memory_space<vmem>>
    %dma_wait3A_632 = tpu.memref_squeeze %dma_wait3A_631 : memref<1x400x32xf32, #tpu.memory_space<vmem>> -> memref<400x32xf32, #tpu.memory_space<vmem>>
    %dma_wait3A_633 = arith.constant 0 : i32
    %dma_wait3A_634 = tpu.memref_slice %arg4[%add3A_626, %dma_wait3A_633] : memref<204800x32xf32, #tpu.memory_space<hbm>> -> memref<400x32xf32, #tpu.memory_space<hbm>>
    %dma_wait3A_635 = tpu.memref_slice %arg8[%dma_wait3A_628] : memref<6x!tpu.dma_semaphore, #tpu.memory_space<semaphore_mem>> -> memref<1x!tpu.dma_semaphore, #tpu.memory_space<semaphore_mem>>
    %dma_wait3A_636 = tpu.memref_squeeze %dma_wait3A_635 : memref<1x!tpu.dma_semaphore, #tpu.memory_space<semaphore_mem>> -> memref<!tpu.dma_semaphore, #tpu.memory_space<semaphore_mem>>
    %dma_wait3A_637 = arith.constant 0 : i32
    %dma_wait3A_638 = tpu.memref_slice %arg4[%add3A_626, %dma_wait3A_637] : memref<204800x32xf32, #tpu.memory_space<hbm>> -> memref<400x32xf32, #tpu.memory_space<hbm>>
    %dma_wait3A_639 = arith.constant 0 : i32
    %dma_wait3A_640 = arith.constant 0 : i32
    %dma_wait3A_641 = tpu.memref_slice %arg6[%dma_wait3A_627, %dma_wait3A_639, %dma_wait3A_640] : memref<6x400x32xf32, #tpu.memory_space<vmem>> -> memref<1x400x32xf32, #tpu.memory_space<vmem>>
    %dma_wait3A_642 = tpu.memref_squeeze %dma_wait3A_641 : memref<1x400x32xf32, #tpu.memory_space<vmem>> -> memref<400x32xf32, #tpu.memory_space<vmem>>
    tpu.wait_dma2 semaphore(%dma_wait3A_636 : memref<!tpu.dma_semaphore, #tpu.memory_space<semaphore_mem>>) src(%dma_wait3A_642 : memref<400x32xf32, #tpu.memory_space<vmem>>) dst(%dma_wait3A_638 : memref<400x32xf32, #tpu.memory_space<hbm>>)
    %dma_start3A_643 = arith.constant 0 : i32
    %dma_start3A_644 = arith.constant 0 : i32
    %dma_start3A_645 = arith.constant 0 : i32
    %dma_start3A_646 = arith.constant 0 : i32
    %dma_start3A_647 = tpu.memref_slice %arg6[%dma_start3A_643, %dma_start3A_645, %dma_start3A_646] : memref<6x400x32xf32, #tpu.memory_space<vmem>> -> memref<1x400x32xf32, #tpu.memory_space<vmem>>
    %dma_start3A_648 = tpu.memref_squeeze %dma_start3A_647 : memref<1x400x32xf32, #tpu.memory_space<vmem>> -> memref<400x32xf32, #tpu.memory_space<vmem>>
    %dma_start3A_649 = arith.constant 4800 : i32
    %dma_start3A_650 = tpu.memref_slice %arg5[%dma_start3A_649] : memref<6400xi32, #tpu.memory_space<vmem>> -> memref<400xi32, #tpu.memory_space<vmem>>
    %dma_start3A_651 = arith.constant 0 : i32
    %dma_start3A_652 = arith.constant 0 : i32
    %dma_start3A_653 = tpu.memref_slice %arg3[%dma_start3A_651, %dma_start3A_652] : memref<1000000x32xf32, #tpu.memory_space<hbm>> -> memref<1000000x32xf32, #tpu.memory_space<hbm>>
    %dma_start3A_654 = tpu.memref_slice %arg7[%dma_start3A_644] : memref<2x!tpu.dma_semaphore, #tpu.memory_space<semaphore_mem>> -> memref<1x!tpu.dma_semaphore, #tpu.memory_space<semaphore_mem>>
    %dma_start3A_655 = tpu.memref_squeeze %dma_start3A_654 : memref<1x!tpu.dma_semaphore, #tpu.memory_space<semaphore_mem>> -> memref<!tpu.dma_semaphore, #tpu.memory_space<semaphore_mem>>
    tpu.enqueue_indirect_dma source(%dma_start3A_653 : memref<1000000x32xf32, #tpu.memory_space<hbm>>) target(%dma_start3A_648 : memref<400x32xf32, #tpu.memory_space<vmem>>) offsets(%dma_start3A_650 : memref<400xi32, #tpu.memory_space<vmem>>) semaphore(%dma_start3A_655 : memref<!tpu.dma_semaphore, #tpu.memory_space<semaphore_mem>>)
    %dma_wait3A_656 = arith.constant 0 : i32
    %dma_wait3A_657 = arith.constant 0 : i32
    %dma_wait3A_658 = arith.constant 0 : i32
    %dma_wait3A_659 = arith.constant 0 : i32
    %dma_wait3A_660 = tpu.memref_slice %arg6[%dma_wait3A_656, %dma_wait3A_658, %dma_wait3A_659] : memref<6x400x32xf32, #tpu.memory_space<vmem>> -> memref<1x400x32xf32, #tpu.memory_space<vmem>>
    %dma_wait3A_661 = tpu.memref_squeeze %dma_wait3A_660 : memref<1x400x32xf32, #tpu.memory_space<vmem>> -> memref<400x32xf32, #tpu.memory_space<vmem>>
    %dma_wait3A_662 = arith.constant 0 : i32
    %dma_wait3A_663 = arith.constant 0 : i32
    %dma_wait3A_664 = tpu.memref_slice %arg3[%dma_wait3A_662, %dma_wait3A_663] : memref<1000000x32xf32, #tpu.memory_space<hbm>> -> memref<400x32xf32, #tpu.memory_space<hbm>>
    %dma_wait3A_665 = tpu.memref_slice %arg7[%dma_wait3A_657] : memref<2x!tpu.dma_semaphore, #tpu.memory_space<semaphore_mem>> -> memref<1x!tpu.dma_semaphore, #tpu.memory_space<semaphore_mem>>
    %dma_wait3A_666 = tpu.memref_squeeze %dma_wait3A_665 : memref<1x!tpu.dma_semaphore, #tpu.memory_space<semaphore_mem>> -> memref<!tpu.dma_semaphore, #tpu.memory_space<semaphore_mem>>
    %dma_wait3A_667 = arith.constant 0 : i32
    %dma_wait3A_668 = arith.constant 0 : i32
    %dma_wait3A_669 = tpu.memref_slice %arg6[%dma_wait3A_656, %dma_wait3A_667, %dma_wait3A_668] : memref<6x400x32xf32, #tpu.memory_space<vmem>> -> memref<1x400x32xf32, #tpu.memory_space<vmem>>
    %dma_wait3A_670 = tpu.memref_squeeze %dma_wait3A_669 : memref<1x400x32xf32, #tpu.memory_space<vmem>> -> memref<400x32xf32, #tpu.memory_space<vmem>>
    %dma_wait3A_671 = arith.constant 0 : i32
    %dma_wait3A_672 = arith.constant 0 : i32
    %dma_wait3A_673 = tpu.memref_slice %arg3[%dma_wait3A_671, %dma_wait3A_672] : memref<1000000x32xf32, #tpu.memory_space<hbm>> -> memref<400x32xf32, #tpu.memory_space<hbm>>
    tpu.wait_dma2 semaphore(%dma_wait3A_666 : memref<!tpu.dma_semaphore, #tpu.memory_space<semaphore_mem>>) src(%dma_wait3A_673 : memref<400x32xf32, #tpu.memory_space<hbm>>) dst(%dma_wait3A_670 : memref<400x32xf32, #tpu.memory_space<vmem>>)
    %add3A_674 = arith.constant 4000 : i32
    %add3A_675 = arith.addi %mul3A_2, %add3A_674 : i32
    %dma_start3A_676 = arith.constant 4 : i32
    %dma_start3A_677 = arith.constant 4 : i32
    %dma_start3A_678 = arith.constant 0 : i32
    %dma_start3A_679 = arith.constant 0 : i32
    %dma_start3A_680 = tpu.memref_slice %arg6[%dma_start3A_676, %dma_start3A_678, %dma_start3A_679] : memref<6x400x32xf32, #tpu.memory_space<vmem>> -> memref<1x400x32xf32, #tpu.memory_space<vmem>>
    %dma_start3A_681 = tpu.memref_squeeze %dma_start3A_680 : memref<1x400x32xf32, #tpu.memory_space<vmem>> -> memref<400x32xf32, #tpu.memory_space<vmem>>
    %dma_start3A_682 = arith.constant 0 : i32
    %dma_start3A_683 = tpu.memref_slice %arg4[%add3A_675, %dma_start3A_682] : memref<204800x32xf32, #tpu.memory_space<hbm>> -> memref<400x32xf32, #tpu.memory_space<hbm>>
    %dma_start3A_684 = tpu.memref_slice %arg8[%dma_start3A_677] : memref<6x!tpu.dma_semaphore, #tpu.memory_space<semaphore_mem>> -> memref<1x!tpu.dma_semaphore, #tpu.memory_space<semaphore_mem>>
    %dma_start3A_685 = tpu.memref_squeeze %dma_start3A_684 : memref<1x!tpu.dma_semaphore, #tpu.memory_space<semaphore_mem>> -> memref<!tpu.dma_semaphore, #tpu.memory_space<semaphore_mem>>
    %dma_start3A_686 = arith.constant 0 : i32
    %dma_start3A_687 = tpu.memref_slice %arg4[%add3A_675, %dma_start3A_686] : memref<204800x32xf32, #tpu.memory_space<hbm>> -> memref<400x32xf32, #tpu.memory_space<hbm>>
    %dma_start3A_688 = arith.constant 0 : i32
    %dma_start3A_689 = arith.constant 0 : i32
    %dma_start3A_690 = tpu.memref_slice %arg6[%dma_start3A_676, %dma_start3A_688, %dma_start3A_689] : memref<6x400x32xf32, #tpu.memory_space<vmem>> -> memref<1x400x32xf32, #tpu.memory_space<vmem>>
    %dma_start3A_691 = tpu.memref_squeeze %dma_start3A_690 : memref<1x400x32xf32, #tpu.memory_space<vmem>> -> memref<400x32xf32, #tpu.memory_space<vmem>>
    tpu.enqueue_dma source(%dma_start3A_691 : memref<400x32xf32, #tpu.memory_space<vmem>>) target(%dma_start3A_687 : memref<400x32xf32, #tpu.memory_space<hbm>>) target_semaphore(%dma_start3A_685 : memref<!tpu.dma_semaphore, #tpu.memory_space<semaphore_mem>>)
    %add3A_692 = arith.constant 2800 : i32
    %add3A_693 = arith.addi %mul3A_2, %add3A_692 : i32
    %dma_wait3A_694 = arith.constant 1 : i32
    %dma_wait3A_695 = arith.constant 1 : i32
    %dma_wait3A_696 = arith.constant 0 : i32
    %dma_wait3A_697 = arith.constant 0 : i32
    %dma_wait3A_698 = tpu.memref_slice %arg6[%dma_wait3A_694, %dma_wait3A_696, %dma_wait3A_697] : memref<6x400x32xf32, #tpu.memory_space<vmem>> -> memref<1x400x32xf32, #tpu.memory_space<vmem>>
    %dma_wait3A_699 = tpu.memref_squeeze %dma_wait3A_698 : memref<1x400x32xf32, #tpu.memory_space<vmem>> -> memref<400x32xf32, #tpu.memory_space<vmem>>
    %dma_wait3A_700 = arith.constant 0 : i32
    %dma_wait3A_701 = tpu.memref_slice %arg4[%add3A_693, %dma_wait3A_700] : memref<204800x32xf32, #tpu.memory_space<hbm>> -> memref<400x32xf32, #tpu.memory_space<hbm>>
    %dma_wait3A_702 = tpu.memref_slice %arg8[%dma_wait3A_695] : memref<6x!tpu.dma_semaphore, #tpu.memory_space<semaphore_mem>> -> memref<1x!tpu.dma_semaphore, #tpu.memory_space<semaphore_mem>>
    %dma_wait3A_703 = tpu.memref_squeeze %dma_wait3A_702 : memref<1x!tpu.dma_semaphore, #tpu.memory_space<semaphore_mem>> -> memref<!tpu.dma_semaphore, #tpu.memory_space<semaphore_mem>>
    %dma_wait3A_704 = arith.constant 0 : i32
    %dma_wait3A_705 = tpu.memref_slice %arg4[%add3A_693, %dma_wait3A_704] : memref<204800x32xf32, #tpu.memory_space<hbm>> -> memref<400x32xf32, #tpu.memory_space<hbm>>
    %dma_wait3A_706 = arith.constant 0 : i32
    %dma_wait3A_707 = arith.constant 0 : i32
    %dma_wait3A_708 = tpu.memref_slice %arg6[%dma_wait3A_694, %dma_wait3A_706, %dma_wait3A_707] : memref<6x400x32xf32, #tpu.memory_space<vmem>> -> memref<1x400x32xf32, #tpu.memory_space<vmem>>
    %dma_wait3A_709 = tpu.memref_squeeze %dma_wait3A_708 : memref<1x400x32xf32, #tpu.memory_space<vmem>> -> memref<400x32xf32, #tpu.memory_space<vmem>>
    tpu.wait_dma2 semaphore(%dma_wait3A_703 : memref<!tpu.dma_semaphore, #tpu.memory_space<semaphore_mem>>) src(%dma_wait3A_709 : memref<400x32xf32, #tpu.memory_space<vmem>>) dst(%dma_wait3A_705 : memref<400x32xf32, #tpu.memory_space<hbm>>)
    %dma_start3A_710 = arith.constant 1 : i32
    %dma_start3A_711 = arith.constant 1 : i32
    %dma_start3A_712 = arith.constant 0 : i32
    %dma_start3A_713 = arith.constant 0 : i32
    %dma_start3A_714 = tpu.memref_slice %arg6[%dma_start3A_710, %dma_start3A_712, %dma_start3A_713] : memref<6x400x32xf32, #tpu.memory_space<vmem>> -> memref<1x400x32xf32, #tpu.memory_space<vmem>>
    %dma_start3A_715 = tpu.memref_squeeze %dma_start3A_714 : memref<1x400x32xf32, #tpu.memory_space<vmem>> -> memref<400x32xf32, #tpu.memory_space<vmem>>
    %dma_start3A_716 = arith.constant 5200 : i32
    %dma_start3A_717 = tpu.memref_slice %arg5[%dma_start3A_716] : memref<6400xi32, #tpu.memory_space<vmem>> -> memref<400xi32, #tpu.memory_space<vmem>>
    %dma_start3A_718 = arith.constant 0 : i32
    %dma_start3A_719 = arith.constant 0 : i32
    %dma_start3A_720 = tpu.memref_slice %arg3[%dma_start3A_718, %dma_start3A_719] : memref<1000000x32xf32, #tpu.memory_space<hbm>> -> memref<1000000x32xf32, #tpu.memory_space<hbm>>
    %dma_start3A_721 = tpu.memref_slice %arg7[%dma_start3A_711] : memref<2x!tpu.dma_semaphore, #tpu.memory_space<semaphore_mem>> -> memref<1x!tpu.dma_semaphore, #tpu.memory_space<semaphore_mem>>
    %dma_start3A_722 = tpu.memref_squeeze %dma_start3A_721 : memref<1x!tpu.dma_semaphore, #tpu.memory_space<semaphore_mem>> -> memref<!tpu.dma_semaphore, #tpu.memory_space<semaphore_mem>>
    tpu.enqueue_indirect_dma source(%dma_start3A_720 : memref<1000000x32xf32, #tpu.memory_space<hbm>>) target(%dma_start3A_715 : memref<400x32xf32, #tpu.memory_space<vmem>>) offsets(%dma_start3A_717 : memref<400xi32, #tpu.memory_space<vmem>>) semaphore(%dma_start3A_722 : memref<!tpu.dma_semaphore, #tpu.memory_space<semaphore_mem>>)
    %dma_wait3A_723 = arith.constant 0 : i32
    %dma_wait3A_724 = arith.constant 1 : i32
    %dma_wait3A_725 = arith.constant 0 : i32
    %dma_wait3A_726 = arith.constant 0 : i32
    %dma_wait3A_727 = tpu.memref_slice %arg6[%dma_wait3A_723, %dma_wait3A_725, %dma_wait3A_726] : memref<6x400x32xf32, #tpu.memory_space<vmem>> -> memref<1x400x32xf32, #tpu.memory_space<vmem>>
    %dma_wait3A_728 = tpu.memref_squeeze %dma_wait3A_727 : memref<1x400x32xf32, #tpu.memory_space<vmem>> -> memref<400x32xf32, #tpu.memory_space<vmem>>
    %dma_wait3A_729 = arith.constant 0 : i32
    %dma_wait3A_730 = arith.constant 0 : i32
    %dma_wait3A_731 = tpu.memref_slice %arg3[%dma_wait3A_729, %dma_wait3A_730] : memref<1000000x32xf32, #tpu.memory_space<hbm>> -> memref<400x32xf32, #tpu.memory_space<hbm>>
    %dma_wait3A_732 = tpu.memref_slice %arg7[%dma_wait3A_724] : memref<2x!tpu.dma_semaphore, #tpu.memory_space<semaphore_mem>> -> memref<1x!tpu.dma_semaphore, #tpu.memory_space<semaphore_mem>>
    %dma_wait3A_733 = tpu.memref_squeeze %dma_wait3A_732 : memref<1x!tpu.dma_semaphore, #tpu.memory_space<semaphore_mem>> -> memref<!tpu.dma_semaphore, #tpu.memory_space<semaphore_mem>>
    %dma_wait3A_734 = arith.constant 0 : i32
    %dma_wait3A_735 = arith.constant 0 : i32
    %dma_wait3A_736 = tpu.memref_slice %arg6[%dma_wait3A_723, %dma_wait3A_734, %dma_wait3A_735] : memref<6x400x32xf32, #tpu.memory_space<vmem>> -> memref<1x400x32xf32, #tpu.memory_space<vmem>>
    %dma_wait3A_737 = tpu.memref_squeeze %dma_wait3A_736 : memref<1x400x32xf32, #tpu.memory_space<vmem>> -> memref<400x32xf32, #tpu.memory_space<vmem>>
    %dma_wait3A_738 = arith.constant 0 : i32
    %dma_wait3A_739 = arith.constant 0 : i32
    %dma_wait3A_740 = tpu.memref_slice %arg3[%dma_wait3A_738, %dma_wait3A_739] : memref<1000000x32xf32, #tpu.memory_space<hbm>> -> memref<400x32xf32, #tpu.memory_space<hbm>>
    tpu.wait_dma2 semaphore(%dma_wait3A_733 : memref<!tpu.dma_semaphore, #tpu.memory_space<semaphore_mem>>) src(%dma_wait3A_740 : memref<400x32xf32, #tpu.memory_space<hbm>>) dst(%dma_wait3A_737 : memref<400x32xf32, #tpu.memory_space<vmem>>)
    %add3A_741 = arith.constant 4400 : i32
    %add3A_742 = arith.addi %mul3A_2, %add3A_741 : i32
    %dma_start3A_743 = arith.constant 5 : i32
    %dma_start3A_744 = arith.constant 5 : i32
    %dma_start3A_745 = arith.constant 0 : i32
    %dma_start3A_746 = arith.constant 0 : i32
    %dma_start3A_747 = tpu.memref_slice %arg6[%dma_start3A_743, %dma_start3A_745, %dma_start3A_746] : memref<6x400x32xf32, #tpu.memory_space<vmem>> -> memref<1x400x32xf32, #tpu.memory_space<vmem>>
    %dma_start3A_748 = tpu.memref_squeeze %dma_start3A_747 : memref<1x400x32xf32, #tpu.memory_space<vmem>> -> memref<400x32xf32, #tpu.memory_space<vmem>>
    %dma_start3A_749 = arith.constant 0 : i32
    %dma_start3A_750 = tpu.memref_slice %arg4[%add3A_742, %dma_start3A_749] : memref<204800x32xf32, #tpu.memory_space<hbm>> -> memref<400x32xf32, #tpu.memory_space<hbm>>
    %dma_start3A_751 = tpu.memref_slice %arg8[%dma_start3A_744] : memref<6x!tpu.dma_semaphore, #tpu.memory_space<semaphore_mem>> -> memref<1x!tpu.dma_semaphore, #tpu.memory_space<semaphore_mem>>
    %dma_start3A_752 = tpu.memref_squeeze %dma_start3A_751 : memref<1x!tpu.dma_semaphore, #tpu.memory_space<semaphore_mem>> -> memref<!tpu.dma_semaphore, #tpu.memory_space<semaphore_mem>>
    %dma_start3A_753 = arith.constant 0 : i32
    %dma_start3A_754 = tpu.memref_slice %arg4[%add3A_742, %dma_start3A_753] : memref<204800x32xf32, #tpu.memory_space<hbm>> -> memref<400x32xf32, #tpu.memory_space<hbm>>
    %dma_start3A_755 = arith.constant 0 : i32
    %dma_start3A_756 = arith.constant 0 : i32
    %dma_start3A_757 = tpu.memref_slice %arg6[%dma_start3A_743, %dma_start3A_755, %dma_start3A_756] : memref<6x400x32xf32, #tpu.memory_space<vmem>> -> memref<1x400x32xf32, #tpu.memory_space<vmem>>
    %dma_start3A_758 = tpu.memref_squeeze %dma_start3A_757 : memref<1x400x32xf32, #tpu.memory_space<vmem>> -> memref<400x32xf32, #tpu.memory_space<vmem>>
    tpu.enqueue_dma source(%dma_start3A_758 : memref<400x32xf32, #tpu.memory_space<vmem>>) target(%dma_start3A_754 : memref<400x32xf32, #tpu.memory_space<hbm>>) target_semaphore(%dma_start3A_752 : memref<!tpu.dma_semaphore, #tpu.memory_space<semaphore_mem>>)
    %add3A_759 = arith.constant 3200 : i32
    %add3A_760 = arith.addi %mul3A_2, %add3A_759 : i32
    %dma_wait3A_761 = arith.constant 2 : i32
    %dma_wait3A_762 = arith.constant 2 : i32
    %dma_wait3A_763 = arith.constant 0 : i32
    %dma_wait3A_764 = arith.constant 0 : i32
    %dma_wait3A_765 = tpu.memref_slice %arg6[%dma_wait3A_761, %dma_wait3A_763, %dma_wait3A_764] : memref<6x400x32xf32, #tpu.memory_space<vmem>> -> memref<1x400x32xf32, #tpu.memory_space<vmem>>
    %dma_wait3A_766 = tpu.memref_squeeze %dma_wait3A_765 : memref<1x400x32xf32, #tpu.memory_space<vmem>> -> memref<400x32xf32, #tpu.memory_space<vmem>>
    %dma_wait3A_767 = arith.constant 0 : i32
    %dma_wait3A_768 = tpu.memref_slice %arg4[%add3A_760, %dma_wait3A_767] : memref<204800x32xf32, #tpu.memory_space<hbm>> -> memref<400x32xf32, #tpu.memory_space<hbm>>
    %dma_wait3A_769 = tpu.memref_slice %arg8[%dma_wait3A_762] : memref<6x!tpu.dma_semaphore, #tpu.memory_space<semaphore_mem>> -> memref<1x!tpu.dma_semaphore, #tpu.memory_space<semaphore_mem>>
    %dma_wait3A_770 = tpu.memref_squeeze %dma_wait3A_769 : memref<1x!tpu.dma_semaphore, #tpu.memory_space<semaphore_mem>> -> memref<!tpu.dma_semaphore, #tpu.memory_space<semaphore_mem>>
    %dma_wait3A_771 = arith.constant 0 : i32
    %dma_wait3A_772 = tpu.memref_slice %arg4[%add3A_760, %dma_wait3A_771] : memref<204800x32xf32, #tpu.memory_space<hbm>> -> memref<400x32xf32, #tpu.memory_space<hbm>>
    %dma_wait3A_773 = arith.constant 0 : i32
    %dma_wait3A_774 = arith.constant 0 : i32
    %dma_wait3A_775 = tpu.memref_slice %arg6[%dma_wait3A_761, %dma_wait3A_773, %dma_wait3A_774] : memref<6x400x32xf32, #tpu.memory_space<vmem>> -> memref<1x400x32xf32, #tpu.memory_space<vmem>>
    %dma_wait3A_776 = tpu.memref_squeeze %dma_wait3A_775 : memref<1x400x32xf32, #tpu.memory_space<vmem>> -> memref<400x32xf32, #tpu.memory_space<vmem>>
    tpu.wait_dma2 semaphore(%dma_wait3A_770 : memref<!tpu.dma_semaphore, #tpu.memory_space<semaphore_mem>>) src(%dma_wait3A_776 : memref<400x32xf32, #tpu.memory_space<vmem>>) dst(%dma_wait3A_772 : memref<400x32xf32, #tpu.memory_space<hbm>>)
    %dma_start3A_777 = arith.constant 2 : i32
    %dma_start3A_778 = arith.constant 0 : i32
    %dma_start3A_779 = arith.constant 0 : i32
    %dma_start3A_780 = arith.constant 0 : i32
    %dma_start3A_781 = tpu.memref_slice %arg6[%dma_start3A_777, %dma_start3A_779, %dma_start3A_780] : memref<6x400x32xf32, #tpu.memory_space<vmem>> -> memref<1x400x32xf32, #tpu.memory_space<vmem>>
    %dma_start3A_782 = tpu.memref_squeeze %dma_start3A_781 : memref<1x400x32xf32, #tpu.memory_space<vmem>> -> memref<400x32xf32, #tpu.memory_space<vmem>>
    %dma_start3A_783 = arith.constant 5600 : i32
    %dma_start3A_784 = tpu.memref_slice %arg5[%dma_start3A_783] : memref<6400xi32, #tpu.memory_space<vmem>> -> memref<400xi32, #tpu.memory_space<vmem>>
    %dma_start3A_785 = arith.constant 0 : i32
    %dma_start3A_786 = arith.constant 0 : i32
    %dma_start3A_787 = tpu.memref_slice %arg3[%dma_start3A_785, %dma_start3A_786] : memref<1000000x32xf32, #tpu.memory_space<hbm>> -> memref<1000000x32xf32, #tpu.memory_space<hbm>>
    %dma_start3A_788 = tpu.memref_slice %arg7[%dma_start3A_778] : memref<2x!tpu.dma_semaphore, #tpu.memory_space<semaphore_mem>> -> memref<1x!tpu.dma_semaphore, #tpu.memory_space<semaphore_mem>>
    %dma_start3A_789 = tpu.memref_squeeze %dma_start3A_788 : memref<1x!tpu.dma_semaphore, #tpu.memory_space<semaphore_mem>> -> memref<!tpu.dma_semaphore, #tpu.memory_space<semaphore_mem>>
    tpu.enqueue_indirect_dma source(%dma_start3A_787 : memref<1000000x32xf32, #tpu.memory_space<hbm>>) target(%dma_start3A_782 : memref<400x32xf32, #tpu.memory_space<vmem>>) offsets(%dma_start3A_784 : memref<400xi32, #tpu.memory_space<vmem>>) semaphore(%dma_start3A_789 : memref<!tpu.dma_semaphore, #tpu.memory_space<semaphore_mem>>)
    %dma_wait3A_790 = arith.constant 0 : i32
    %dma_wait3A_791 = arith.constant 0 : i32
    %dma_wait3A_792 = arith.constant 0 : i32
    %dma_wait3A_793 = arith.constant 0 : i32
    %dma_wait3A_794 = tpu.memref_slice %arg6[%dma_wait3A_790, %dma_wait3A_792, %dma_wait3A_793] : memref<6x400x32xf32, #tpu.memory_space<vmem>> -> memref<1x400x32xf32, #tpu.memory_space<vmem>>
    %dma_wait3A_795 = tpu.memref_squeeze %dma_wait3A_794 : memref<1x400x32xf32, #tpu.memory_space<vmem>> -> memref<400x32xf32, #tpu.memory_space<vmem>>
    %dma_wait3A_796 = arith.constant 0 : i32
    %dma_wait3A_797 = arith.constant 0 : i32
    %dma_wait3A_798 = tpu.memref_slice %arg3[%dma_wait3A_796, %dma_wait3A_797] : memref<1000000x32xf32, #tpu.memory_space<hbm>> -> memref<400x32xf32, #tpu.memory_space<hbm>>
    %dma_wait3A_799 = tpu.memref_slice %arg7[%dma_wait3A_791] : memref<2x!tpu.dma_semaphore, #tpu.memory_space<semaphore_mem>> -> memref<1x!tpu.dma_semaphore, #tpu.memory_space<semaphore_mem>>
    %dma_wait3A_800 = tpu.memref_squeeze %dma_wait3A_799 : memref<1x!tpu.dma_semaphore, #tpu.memory_space<semaphore_mem>> -> memref<!tpu.dma_semaphore, #tpu.memory_space<semaphore_mem>>
    %dma_wait3A_801 = arith.constant 0 : i32
    %dma_wait3A_802 = arith.constant 0 : i32
    %dma_wait3A_803 = tpu.memref_slice %arg6[%dma_wait3A_790, %dma_wait3A_801, %dma_wait3A_802] : memref<6x400x32xf32, #tpu.memory_space<vmem>> -> memref<1x400x32xf32, #tpu.memory_space<vmem>>
    %dma_wait3A_804 = tpu.memref_squeeze %dma_wait3A_803 : memref<1x400x32xf32, #tpu.memory_space<vmem>> -> memref<400x32xf32, #tpu.memory_space<vmem>>
    %dma_wait3A_805 = arith.constant 0 : i32
    %dma_wait3A_806 = arith.constant 0 : i32
    %dma_wait3A_807 = tpu.memref_slice %arg3[%dma_wait3A_805, %dma_wait3A_806] : memref<1000000x32xf32, #tpu.memory_space<hbm>> -> memref<400x32xf32, #tpu.memory_space<hbm>>
    tpu.wait_dma2 semaphore(%dma_wait3A_800 : memref<!tpu.dma_semaphore, #tpu.memory_space<semaphore_mem>>) src(%dma_wait3A_807 : memref<400x32xf32, #tpu.memory_space<hbm>>) dst(%dma_wait3A_804 : memref<400x32xf32, #tpu.memory_space<vmem>>)
    %add3A_808 = arith.constant 4800 : i32
    %add3A_809 = arith.addi %mul3A_2, %add3A_808 : i32
    %dma_start3A_810 = arith.constant 0 : i32
    %dma_start3A_811 = arith.constant 0 : i32
    %dma_start3A_812 = arith.constant 0 : i32
    %dma_start3A_813 = arith.constant 0 : i32
    %dma_start3A_814 = tpu.memref_slice %arg6[%dma_start3A_810, %dma_start3A_812, %dma_start3A_813] : memref<6x400x32xf32, #tpu.memory_space<vmem>> -> memref<1x400x32xf32, #tpu.memory_space<vmem>>
    %dma_start3A_815 = tpu.memref_squeeze %dma_start3A_814 : memref<1x400x32xf32, #tpu.memory_space<vmem>> -> memref<400x32xf32, #tpu.memory_space<vmem>>
    %dma_start3A_816 = arith.constant 0 : i32
    %dma_start3A_817 = tpu.memref_slice %arg4[%add3A_809, %dma_start3A_816] : memref<204800x32xf32, #tpu.memory_space<hbm>> -> memref<400x32xf32, #tpu.memory_space<hbm>>
    %dma_start3A_818 = tpu.memref_slice %arg8[%dma_start3A_811] : memref<6x!tpu.dma_semaphore, #tpu.memory_space<semaphore_mem>> -> memref<1x!tpu.dma_semaphore, #tpu.memory_space<semaphore_mem>>
    %dma_start3A_819 = tpu.memref_squeeze %dma_start3A_818 : memref<1x!tpu.dma_semaphore, #tpu.memory_space<semaphore_mem>> -> memref<!tpu.dma_semaphore, #tpu.memory_space<semaphore_mem>>
    %dma_start3A_820 = arith.constant 0 : i32
    %dma_start3A_821 = tpu.memref_slice %arg4[%add3A_809, %dma_start3A_820] : memref<204800x32xf32, #tpu.memory_space<hbm>> -> memref<400x32xf32, #tpu.memory_space<hbm>>
    %dma_start3A_822 = arith.constant 0 : i32
    %dma_start3A_823 = arith.constant 0 : i32
    %dma_start3A_824 = tpu.memref_slice %arg6[%dma_start3A_810, %dma_start3A_822, %dma_start3A_823] : memref<6x400x32xf32, #tpu.memory_space<vmem>> -> memref<1x400x32xf32, #tpu.memory_space<vmem>>
    %dma_start3A_825 = tpu.memref_squeeze %dma_start3A_824 : memref<1x400x32xf32, #tpu.memory_space<vmem>> -> memref<400x32xf32, #tpu.memory_space<vmem>>
    tpu.enqueue_dma source(%dma_start3A_825 : memref<400x32xf32, #tpu.memory_space<vmem>>) target(%dma_start3A_821 : memref<400x32xf32, #tpu.memory_space<hbm>>) target_semaphore(%dma_start3A_819 : memref<!tpu.dma_semaphore, #tpu.memory_space<semaphore_mem>>)
    %add3A_826 = arith.constant 3600 : i32
    %add3A_827 = arith.addi %mul3A_2, %add3A_826 : i32
    %dma_wait3A_828 = arith.constant 3 : i32
    %dma_wait3A_829 = arith.constant 3 : i32
    %dma_wait3A_830 = arith.constant 0 : i32
    %dma_wait3A_831 = arith.constant 0 : i32
    %dma_wait3A_832 = tpu.memref_slice %arg6[%dma_wait3A_828, %dma_wait3A_830, %dma_wait3A_831] : memref<6x400x32xf32, #tpu.memory_space<vmem>> -> memref<1x400x32xf32, #tpu.memory_space<vmem>>
    %dma_wait3A_833 = tpu.memref_squeeze %dma_wait3A_832 : memref<1x400x32xf32, #tpu.memory_space<vmem>> -> memref<400x32xf32, #tpu.memory_space<vmem>>
    %dma_wait3A_834 = arith.constant 0 : i32
    %dma_wait3A_835 = tpu.memref_slice %arg4[%add3A_827, %dma_wait3A_834] : memref<204800x32xf32, #tpu.memory_space<hbm>> -> memref<400x32xf32, #tpu.memory_space<hbm>>
    %dma_wait3A_836 = tpu.memref_slice %arg8[%dma_wait3A_829] : memref<6x!tpu.dma_semaphore, #tpu.memory_space<semaphore_mem>> -> memref<1x!tpu.dma_semaphore, #tpu.memory_space<semaphore_mem>>
    %dma_wait3A_837 = tpu.memref_squeeze %dma_wait3A_836 : memref<1x!tpu.dma_semaphore, #tpu.memory_space<semaphore_mem>> -> memref<!tpu.dma_semaphore, #tpu.memory_space<semaphore_mem>>
    %dma_wait3A_838 = arith.constant 0 : i32
    %dma_wait3A_839 = tpu.memref_slice %arg4[%add3A_827, %dma_wait3A_838] : memref<204800x32xf32, #tpu.memory_space<hbm>> -> memref<400x32xf32, #tpu.memory_space<hbm>>
    %dma_wait3A_840 = arith.constant 0 : i32
    %dma_wait3A_841 = arith.constant 0 : i32
    %dma_wait3A_842 = tpu.memref_slice %arg6[%dma_wait3A_828, %dma_wait3A_840, %dma_wait3A_841] : memref<6x400x32xf32, #tpu.memory_space<vmem>> -> memref<1x400x32xf32, #tpu.memory_space<vmem>>
    %dma_wait3A_843 = tpu.memref_squeeze %dma_wait3A_842 : memref<1x400x32xf32, #tpu.memory_space<vmem>> -> memref<400x32xf32, #tpu.memory_space<vmem>>
    tpu.wait_dma2 semaphore(%dma_wait3A_837 : memref<!tpu.dma_semaphore, #tpu.memory_space<semaphore_mem>>) src(%dma_wait3A_843 : memref<400x32xf32, #tpu.memory_space<vmem>>) dst(%dma_wait3A_839 : memref<400x32xf32, #tpu.memory_space<hbm>>)
    %dma_start3A_844 = arith.constant 3 : i32
    %dma_start3A_845 = arith.constant 1 : i32
    %dma_start3A_846 = arith.constant 0 : i32
    %dma_start3A_847 = arith.constant 0 : i32
    %dma_start3A_848 = tpu.memref_slice %arg6[%dma_start3A_844, %dma_start3A_846, %dma_start3A_847] : memref<6x400x32xf32, #tpu.memory_space<vmem>> -> memref<1x400x32xf32, #tpu.memory_space<vmem>>
    %dma_start3A_849 = tpu.memref_squeeze %dma_start3A_848 : memref<1x400x32xf32, #tpu.memory_space<vmem>> -> memref<400x32xf32, #tpu.memory_space<vmem>>
    %dma_start3A_850 = arith.constant 6000 : i32
    %dma_start3A_851 = tpu.memref_slice %arg5[%dma_start3A_850] : memref<6400xi32, #tpu.memory_space<vmem>> -> memref<400xi32, #tpu.memory_space<vmem>>
    %dma_start3A_852 = arith.constant 0 : i32
    %dma_start3A_853 = arith.constant 0 : i32
    %dma_start3A_854 = tpu.memref_slice %arg3[%dma_start3A_852, %dma_start3A_853] : memref<1000000x32xf32, #tpu.memory_space<hbm>> -> memref<1000000x32xf32, #tpu.memory_space<hbm>>
    %dma_start3A_855 = tpu.memref_slice %arg7[%dma_start3A_845] : memref<2x!tpu.dma_semaphore, #tpu.memory_space<semaphore_mem>> -> memref<1x!tpu.dma_semaphore, #tpu.memory_space<semaphore_mem>>
    %dma_start3A_856 = tpu.memref_squeeze %dma_start3A_855 : memref<1x!tpu.dma_semaphore, #tpu.memory_space<semaphore_mem>> -> memref<!tpu.dma_semaphore, #tpu.memory_space<semaphore_mem>>
    tpu.enqueue_indirect_dma source(%dma_start3A_854 : memref<1000000x32xf32, #tpu.memory_space<hbm>>) target(%dma_start3A_849 : memref<400x32xf32, #tpu.memory_space<vmem>>) offsets(%dma_start3A_851 : memref<400xi32, #tpu.memory_space<vmem>>) semaphore(%dma_start3A_856 : memref<!tpu.dma_semaphore, #tpu.memory_space<semaphore_mem>>)
    %dma_wait3A_857 = arith.constant 0 : i32
    %dma_wait3A_858 = arith.constant 1 : i32
    %dma_wait3A_859 = arith.constant 0 : i32
    %dma_wait3A_860 = arith.constant 0 : i32
    %dma_wait3A_861 = tpu.memref_slice %arg6[%dma_wait3A_857, %dma_wait3A_859, %dma_wait3A_860] : memref<6x400x32xf32, #tpu.memory_space<vmem>> -> memref<1x400x32xf32, #tpu.memory_space<vmem>>
    %dma_wait3A_862 = tpu.memref_squeeze %dma_wait3A_861 : memref<1x400x32xf32, #tpu.memory_space<vmem>> -> memref<400x32xf32, #tpu.memory_space<vmem>>
    %dma_wait3A_863 = arith.constant 0 : i32
    %dma_wait3A_864 = arith.constant 0 : i32
    %dma_wait3A_865 = tpu.memref_slice %arg3[%dma_wait3A_863, %dma_wait3A_864] : memref<1000000x32xf32, #tpu.memory_space<hbm>> -> memref<400x32xf32, #tpu.memory_space<hbm>>
    %dma_wait3A_866 = tpu.memref_slice %arg7[%dma_wait3A_858] : memref<2x!tpu.dma_semaphore, #tpu.memory_space<semaphore_mem>> -> memref<1x!tpu.dma_semaphore, #tpu.memory_space<semaphore_mem>>
    %dma_wait3A_867 = tpu.memref_squeeze %dma_wait3A_866 : memref<1x!tpu.dma_semaphore, #tpu.memory_space<semaphore_mem>> -> memref<!tpu.dma_semaphore, #tpu.memory_space<semaphore_mem>>
    %dma_wait3A_868 = arith.constant 0 : i32
    %dma_wait3A_869 = arith.constant 0 : i32
    %dma_wait3A_870 = tpu.memref_slice %arg6[%dma_wait3A_857, %dma_wait3A_868, %dma_wait3A_869] : memref<6x400x32xf32, #tpu.memory_space<vmem>> -> memref<1x400x32xf32, #tpu.memory_space<vmem>>
    %dma_wait3A_871 = tpu.memref_squeeze %dma_wait3A_870 : memref<1x400x32xf32, #tpu.memory_space<vmem>> -> memref<400x32xf32, #tpu.memory_space<vmem>>
    %dma_wait3A_872 = arith.constant 0 : i32
    %dma_wait3A_873 = arith.constant 0 : i32
    %dma_wait3A_874 = tpu.memref_slice %arg3[%dma_wait3A_872, %dma_wait3A_873] : memref<1000000x32xf32, #tpu.memory_space<hbm>> -> memref<400x32xf32, #tpu.memory_space<hbm>>
    tpu.wait_dma2 semaphore(%dma_wait3A_867 : memref<!tpu.dma_semaphore, #tpu.memory_space<semaphore_mem>>) src(%dma_wait3A_874 : memref<400x32xf32, #tpu.memory_space<hbm>>) dst(%dma_wait3A_871 : memref<400x32xf32, #tpu.memory_space<vmem>>)
    %add3A_875 = arith.constant 5200 : i32
    %add3A_876 = arith.addi %mul3A_2, %add3A_875 : i32
    %dma_start3A_877 = arith.constant 1 : i32
    %dma_start3A_878 = arith.constant 1 : i32
    %dma_start3A_879 = arith.constant 0 : i32
    %dma_start3A_880 = arith.constant 0 : i32
    %dma_start3A_881 = tpu.memref_slice %arg6[%dma_start3A_877, %dma_start3A_879, %dma_start3A_880] : memref<6x400x32xf32, #tpu.memory_space<vmem>> -> memref<1x400x32xf32, #tpu.memory_space<vmem>>
    %dma_start3A_882 = tpu.memref_squeeze %dma_start3A_881 : memref<1x400x32xf32, #tpu.memory_space<vmem>> -> memref<400x32xf32, #tpu.memory_space<vmem>>
    %dma_start3A_883 = arith.constant 0 : i32
    %dma_start3A_884 = tpu.memref_slice %arg4[%add3A_876, %dma_start3A_883] : memref<204800x32xf32, #tpu.memory_space<hbm>> -> memref<400x32xf32, #tpu.memory_space<hbm>>
    %dma_start3A_885 = tpu.memref_slice %arg8[%dma_start3A_878] : memref<6x!tpu.dma_semaphore, #tpu.memory_space<semaphore_mem>> -> memref<1x!tpu.dma_semaphore, #tpu.memory_space<semaphore_mem>>
    %dma_start3A_886 = tpu.memref_squeeze %dma_start3A_885 : memref<1x!tpu.dma_semaphore, #tpu.memory_space<semaphore_mem>> -> memref<!tpu.dma_semaphore, #tpu.memory_space<semaphore_mem>>
    %dma_start3A_887 = arith.constant 0 : i32
    %dma_start3A_888 = tpu.memref_slice %arg4[%add3A_876, %dma_start3A_887] : memref<204800x32xf32, #tpu.memory_space<hbm>> -> memref<400x32xf32, #tpu.memory_space<hbm>>
    %dma_start3A_889 = arith.constant 0 : i32
    %dma_start3A_890 = arith.constant 0 : i32
    %dma_start3A_891 = tpu.memref_slice %arg6[%dma_start3A_877, %dma_start3A_889, %dma_start3A_890] : memref<6x400x32xf32, #tpu.memory_space<vmem>> -> memref<1x400x32xf32, #tpu.memory_space<vmem>>
    %dma_start3A_892 = tpu.memref_squeeze %dma_start3A_891 : memref<1x400x32xf32, #tpu.memory_space<vmem>> -> memref<400x32xf32, #tpu.memory_space<vmem>>
    tpu.enqueue_dma source(%dma_start3A_892 : memref<400x32xf32, #tpu.memory_space<vmem>>) target(%dma_start3A_888 : memref<400x32xf32, #tpu.memory_space<hbm>>) target_semaphore(%dma_start3A_886 : memref<!tpu.dma_semaphore, #tpu.memory_space<semaphore_mem>>)
    %dma_wait3A_893 = arith.constant 0 : i32
    %dma_wait3A_894 = arith.constant 0 : i32
    %dma_wait3A_895 = arith.constant 0 : i32
    %dma_wait3A_896 = arith.constant 0 : i32
    %dma_wait3A_897 = tpu.memref_slice %arg6[%dma_wait3A_893, %dma_wait3A_895, %dma_wait3A_896] : memref<6x400x32xf32, #tpu.memory_space<vmem>> -> memref<1x400x32xf32, #tpu.memory_space<vmem>>
    %dma_wait3A_898 = tpu.memref_squeeze %dma_wait3A_897 : memref<1x400x32xf32, #tpu.memory_space<vmem>> -> memref<400x32xf32, #tpu.memory_space<vmem>>
    %dma_wait3A_899 = arith.constant 0 : i32
    %dma_wait3A_900 = arith.constant 0 : i32
    %dma_wait3A_901 = tpu.memref_slice %arg3[%dma_wait3A_899, %dma_wait3A_900] : memref<1000000x32xf32, #tpu.memory_space<hbm>> -> memref<400x32xf32, #tpu.memory_space<hbm>>
    %dma_wait3A_902 = tpu.memref_slice %arg7[%dma_wait3A_894] : memref<2x!tpu.dma_semaphore, #tpu.memory_space<semaphore_mem>> -> memref<1x!tpu.dma_semaphore, #tpu.memory_space<semaphore_mem>>
    %dma_wait3A_903 = tpu.memref_squeeze %dma_wait3A_902 : memref<1x!tpu.dma_semaphore, #tpu.memory_space<semaphore_mem>> -> memref<!tpu.dma_semaphore, #tpu.memory_space<semaphore_mem>>
    %dma_wait3A_904 = arith.constant 0 : i32
    %dma_wait3A_905 = arith.constant 0 : i32
    %dma_wait3A_906 = tpu.memref_slice %arg6[%dma_wait3A_893, %dma_wait3A_904, %dma_wait3A_905] : memref<6x400x32xf32, #tpu.memory_space<vmem>> -> memref<1x400x32xf32, #tpu.memory_space<vmem>>
    %dma_wait3A_907 = tpu.memref_squeeze %dma_wait3A_906 : memref<1x400x32xf32, #tpu.memory_space<vmem>> -> memref<400x32xf32, #tpu.memory_space<vmem>>
    %dma_wait3A_908 = arith.constant 0 : i32
    %dma_wait3A_909 = arith.constant 0 : i32
    %dma_wait3A_910 = tpu.memref_slice %arg3[%dma_wait3A_908, %dma_wait3A_909] : memref<1000000x32xf32, #tpu.memory_space<hbm>> -> memref<400x32xf32, #tpu.memory_space<hbm>>
    tpu.wait_dma2 semaphore(%dma_wait3A_903 : memref<!tpu.dma_semaphore, #tpu.memory_space<semaphore_mem>>) src(%dma_wait3A_910 : memref<400x32xf32, #tpu.memory_space<hbm>>) dst(%dma_wait3A_907 : memref<400x32xf32, #tpu.memory_space<vmem>>)
    %add3A_911 = arith.constant 5600 : i32
    %add3A_912 = arith.addi %mul3A_2, %add3A_911 : i32
    %dma_start3A_913 = arith.constant 2 : i32
    %dma_start3A_914 = arith.constant 2 : i32
    %dma_start3A_915 = arith.constant 0 : i32
    %dma_start3A_916 = arith.constant 0 : i32
    %dma_start3A_917 = tpu.memref_slice %arg6[%dma_start3A_913, %dma_start3A_915, %dma_start3A_916] : memref<6x400x32xf32, #tpu.memory_space<vmem>> -> memref<1x400x32xf32, #tpu.memory_space<vmem>>
    %dma_start3A_918 = tpu.memref_squeeze %dma_start3A_917 : memref<1x400x32xf32, #tpu.memory_space<vmem>> -> memref<400x32xf32, #tpu.memory_space<vmem>>
    %dma_start3A_919 = arith.constant 0 : i32
    %dma_start3A_920 = tpu.memref_slice %arg4[%add3A_912, %dma_start3A_919] : memref<204800x32xf32, #tpu.memory_space<hbm>> -> memref<400x32xf32, #tpu.memory_space<hbm>>
    %dma_start3A_921 = tpu.memref_slice %arg8[%dma_start3A_914] : memref<6x!tpu.dma_semaphore, #tpu.memory_space<semaphore_mem>> -> memref<1x!tpu.dma_semaphore, #tpu.memory_space<semaphore_mem>>
    %dma_start3A_922 = tpu.memref_squeeze %dma_start3A_921 : memref<1x!tpu.dma_semaphore, #tpu.memory_space<semaphore_mem>> -> memref<!tpu.dma_semaphore, #tpu.memory_space<semaphore_mem>>
    %dma_start3A_923 = arith.constant 0 : i32
    %dma_start3A_924 = tpu.memref_slice %arg4[%add3A_912, %dma_start3A_923] : memref<204800x32xf32, #tpu.memory_space<hbm>> -> memref<400x32xf32, #tpu.memory_space<hbm>>
    %dma_start3A_925 = arith.constant 0 : i32
    %dma_start3A_926 = arith.constant 0 : i32
    %dma_start3A_927 = tpu.memref_slice %arg6[%dma_start3A_913, %dma_start3A_925, %dma_start3A_926] : memref<6x400x32xf32, #tpu.memory_space<vmem>> -> memref<1x400x32xf32, #tpu.memory_space<vmem>>
    %dma_start3A_928 = tpu.memref_squeeze %dma_start3A_927 : memref<1x400x32xf32, #tpu.memory_space<vmem>> -> memref<400x32xf32, #tpu.memory_space<vmem>>
    tpu.enqueue_dma source(%dma_start3A_928 : memref<400x32xf32, #tpu.memory_space<vmem>>) target(%dma_start3A_924 : memref<400x32xf32, #tpu.memory_space<hbm>>) target_semaphore(%dma_start3A_922 : memref<!tpu.dma_semaphore, #tpu.memory_space<semaphore_mem>>)
    %dma_wait3A_929 = arith.constant 0 : i32
    %dma_wait3A_930 = arith.constant 1 : i32
    %dma_wait3A_931 = arith.constant 0 : i32
    %dma_wait3A_932 = arith.constant 0 : i32
    %dma_wait3A_933 = tpu.memref_slice %arg6[%dma_wait3A_929, %dma_wait3A_931, %dma_wait3A_932] : memref<6x400x32xf32, #tpu.memory_space<vmem>> -> memref<1x400x32xf32, #tpu.memory_space<vmem>>
    %dma_wait3A_934 = tpu.memref_squeeze %dma_wait3A_933 : memref<1x400x32xf32, #tpu.memory_space<vmem>> -> memref<400x32xf32, #tpu.memory_space<vmem>>
    %dma_wait3A_935 = arith.constant 0 : i32
    %dma_wait3A_936 = arith.constant 0 : i32
    %dma_wait3A_937 = tpu.memref_slice %arg3[%dma_wait3A_935, %dma_wait3A_936] : memref<1000000x32xf32, #tpu.memory_space<hbm>> -> memref<400x32xf32, #tpu.memory_space<hbm>>
    %dma_wait3A_938 = tpu.memref_slice %arg7[%dma_wait3A_930] : memref<2x!tpu.dma_semaphore, #tpu.memory_space<semaphore_mem>> -> memref<1x!tpu.dma_semaphore, #tpu.memory_space<semaphore_mem>>
    %dma_wait3A_939 = tpu.memref_squeeze %dma_wait3A_938 : memref<1x!tpu.dma_semaphore, #tpu.memory_space<semaphore_mem>> -> memref<!tpu.dma_semaphore, #tpu.memory_space<semaphore_mem>>
    %dma_wait3A_940 = arith.constant 0 : i32
    %dma_wait3A_941 = arith.constant 0 : i32
    %dma_wait3A_942 = tpu.memref_slice %arg6[%dma_wait3A_929, %dma_wait3A_940, %dma_wait3A_941] : memref<6x400x32xf32, #tpu.memory_space<vmem>> -> memref<1x400x32xf32, #tpu.memory_space<vmem>>
    %dma_wait3A_943 = tpu.memref_squeeze %dma_wait3A_942 : memref<1x400x32xf32, #tpu.memory_space<vmem>> -> memref<400x32xf32, #tpu.memory_space<vmem>>
    %dma_wait3A_944 = arith.constant 0 : i32
    %dma_wait3A_945 = arith.constant 0 : i32
    %dma_wait3A_946 = tpu.memref_slice %arg3[%dma_wait3A_944, %dma_wait3A_945] : memref<1000000x32xf32, #tpu.memory_space<hbm>> -> memref<400x32xf32, #tpu.memory_space<hbm>>
    tpu.wait_dma2 semaphore(%dma_wait3A_939 : memref<!tpu.dma_semaphore, #tpu.memory_space<semaphore_mem>>) src(%dma_wait3A_946 : memref<400x32xf32, #tpu.memory_space<hbm>>) dst(%dma_wait3A_943 : memref<400x32xf32, #tpu.memory_space<vmem>>)
    %add3A_947 = arith.constant 6000 : i32
    %add3A_948 = arith.addi %mul3A_2, %add3A_947 : i32
    %dma_start3A_949 = arith.constant 3 : i32
    %dma_start3A_950 = arith.constant 3 : i32
    %dma_start3A_951 = arith.constant 0 : i32
    %dma_start3A_952 = arith.constant 0 : i32
    %dma_start3A_953 = tpu.memref_slice %arg6[%dma_start3A_949, %dma_start3A_951, %dma_start3A_952] : memref<6x400x32xf32, #tpu.memory_space<vmem>> -> memref<1x400x32xf32, #tpu.memory_space<vmem>>
    %dma_start3A_954 = tpu.memref_squeeze %dma_start3A_953 : memref<1x400x32xf32, #tpu.memory_space<vmem>> -> memref<400x32xf32, #tpu.memory_space<vmem>>
    %dma_start3A_955 = arith.constant 0 : i32
    %dma_start3A_956 = tpu.memref_slice %arg4[%add3A_948, %dma_start3A_955] : memref<204800x32xf32, #tpu.memory_space<hbm>> -> memref<400x32xf32, #tpu.memory_space<hbm>>
    %dma_start3A_957 = tpu.memref_slice %arg8[%dma_start3A_950] : memref<6x!tpu.dma_semaphore, #tpu.memory_space<semaphore_mem>> -> memref<1x!tpu.dma_semaphore, #tpu.memory_space<semaphore_mem>>
    %dma_start3A_958 = tpu.memref_squeeze %dma_start3A_957 : memref<1x!tpu.dma_semaphore, #tpu.memory_space<semaphore_mem>> -> memref<!tpu.dma_semaphore, #tpu.memory_space<semaphore_mem>>
    %dma_start3A_959 = arith.constant 0 : i32
    %dma_start3A_960 = tpu.memref_slice %arg4[%add3A_948, %dma_start3A_959] : memref<204800x32xf32, #tpu.memory_space<hbm>> -> memref<400x32xf32, #tpu.memory_space<hbm>>
    %dma_start3A_961 = arith.constant 0 : i32
    %dma_start3A_962 = arith.constant 0 : i32
    %dma_start3A_963 = tpu.memref_slice %arg6[%dma_start3A_949, %dma_start3A_961, %dma_start3A_962] : memref<6x400x32xf32, #tpu.memory_space<vmem>> -> memref<1x400x32xf32, #tpu.memory_space<vmem>>
    %dma_start3A_964 = tpu.memref_squeeze %dma_start3A_963 : memref<1x400x32xf32, #tpu.memory_space<vmem>> -> memref<400x32xf32, #tpu.memory_space<vmem>>
    tpu.enqueue_dma source(%dma_start3A_964 : memref<400x32xf32, #tpu.memory_space<vmem>>) target(%dma_start3A_960 : memref<400x32xf32, #tpu.memory_space<hbm>>) target_semaphore(%dma_start3A_958 : memref<!tpu.dma_semaphore, #tpu.memory_space<semaphore_mem>>)
    %add3A_965 = arith.constant 4000 : i32
    %add3A_966 = arith.addi %mul3A_2, %add3A_965 : i32
    %dma_wait3A_967 = arith.constant 4 : i32
    %dma_wait3A_968 = arith.constant 4 : i32
    %dma_wait3A_969 = arith.constant 0 : i32
    %dma_wait3A_970 = arith.constant 0 : i32
    %dma_wait3A_971 = tpu.memref_slice %arg6[%dma_wait3A_967, %dma_wait3A_969, %dma_wait3A_970] : memref<6x400x32xf32, #tpu.memory_space<vmem>> -> memref<1x400x32xf32, #tpu.memory_space<vmem>>
    %dma_wait3A_972 = tpu.memref_squeeze %dma_wait3A_971 : memref<1x400x32xf32, #tpu.memory_space<vmem>> -> memref<400x32xf32, #tpu.memory_space<vmem>>
    %dma_wait3A_973 = arith.constant 0 : i32
    %dma_wait3A_974 = tpu.memref_slice %arg4[%add3A_966, %dma_wait3A_973] : memref<204800x32xf32, #tpu.memory_space<hbm>> -> memref<400x32xf32, #tpu.memory_space<hbm>>
    %dma_wait3A_975 = tpu.memref_slice %arg8[%dma_wait3A_968] : memref<6x!tpu.dma_semaphore, #tpu.memory_space<semaphore_mem>> -> memref<1x!tpu.dma_semaphore, #tpu.memory_space<semaphore_mem>>
    %dma_wait3A_976 = tpu.memref_squeeze %dma_wait3A_975 : memref<1x!tpu.dma_semaphore, #tpu.memory_space<semaphore_mem>> -> memref<!tpu.dma_semaphore, #tpu.memory_space<semaphore_mem>>
    %dma_wait3A_977 = arith.constant 0 : i32
    %dma_wait3A_978 = tpu.memref_slice %arg4[%add3A_966, %dma_wait3A_977] : memref<204800x32xf32, #tpu.memory_space<hbm>> -> memref<400x32xf32, #tpu.memory_space<hbm>>
    %dma_wait3A_979 = arith.constant 0 : i32
    %dma_wait3A_980 = arith.constant 0 : i32
    %dma_wait3A_981 = tpu.memref_slice %arg6[%dma_wait3A_967, %dma_wait3A_979, %dma_wait3A_980] : memref<6x400x32xf32, #tpu.memory_space<vmem>> -> memref<1x400x32xf32, #tpu.memory_space<vmem>>
    %dma_wait3A_982 = tpu.memref_squeeze %dma_wait3A_981 : memref<1x400x32xf32, #tpu.memory_space<vmem>> -> memref<400x32xf32, #tpu.memory_space<vmem>>
    tpu.wait_dma2 semaphore(%dma_wait3A_976 : memref<!tpu.dma_semaphore, #tpu.memory_space<semaphore_mem>>) src(%dma_wait3A_982 : memref<400x32xf32, #tpu.memory_space<vmem>>) dst(%dma_wait3A_978 : memref<400x32xf32, #tpu.memory_space<hbm>>)
    %add3A_983 = arith.constant 4400 : i32
    %add3A_984 = arith.addi %mul3A_2, %add3A_983 : i32
    %dma_wait3A_985 = arith.constant 5 : i32
    %dma_wait3A_986 = arith.constant 5 : i32
    %dma_wait3A_987 = arith.constant 0 : i32
    %dma_wait3A_988 = arith.constant 0 : i32
    %dma_wait3A_989 = tpu.memref_slice %arg6[%dma_wait3A_985, %dma_wait3A_987, %dma_wait3A_988] : memref<6x400x32xf32, #tpu.memory_space<vmem>> -> memref<1x400x32xf32, #tpu.memory_space<vmem>>
    %dma_wait3A_990 = tpu.memref_squeeze %dma_wait3A_989 : memref<1x400x32xf32, #tpu.memory_space<vmem>> -> memref<400x32xf32, #tpu.memory_space<vmem>>
    %dma_wait3A_991 = arith.constant 0 : i32
    %dma_wait3A_992 = tpu.memref_slice %arg4[%add3A_984, %dma_wait3A_991] : memref<204800x32xf32, #tpu.memory_space<hbm>> -> memref<400x32xf32, #tpu.memory_space<hbm>>
    %dma_wait3A_993 = tpu.memref_slice %arg8[%dma_wait3A_986] : memref<6x!tpu.dma_semaphore, #tpu.memory_space<semaphore_mem>> -> memref<1x!tpu.dma_semaphore, #tpu.memory_space<semaphore_mem>>
    %dma_wait3A_994 = tpu.memref_squeeze %dma_wait3A_993 : memref<1x!tpu.dma_semaphore, #tpu.memory_space<semaphore_mem>> -> memref<!tpu.dma_semaphore, #tpu.memory_space<semaphore_mem>>
    %dma_wait3A_995 = arith.constant 0 : i32
    %dma_wait3A_996 = tpu.memref_slice %arg4[%add3A_984, %dma_wait3A_995] : memref<204800x32xf32, #tpu.memory_space<hbm>> -> memref<400x32xf32, #tpu.memory_space<hbm>>
    %dma_wait3A_997 = arith.constant 0 : i32
    %dma_wait3A_998 = arith.constant 0 : i32
    %dma_wait3A_999 = tpu.memref_slice %arg6[%dma_wait3A_985, %dma_wait3A_997, %dma_wait3A_998] : memref<6x400x32xf32, #tpu.memory_space<vmem>> -> memref<1x400x32xf32, #tpu.memory_space<vmem>>
    %dma_wait3A_1000 = tpu.memref_squeeze %dma_wait3A_999 : memref<1x400x32xf32, #tpu.memory_space<vmem>> -> memref<400x32xf32, #tpu.memory_space<vmem>>
    tpu.wait_dma2 semaphore(%dma_wait3A_994 : memref<!tpu.dma_semaphore, #tpu.memory_space<semaphore_mem>>) src(%dma_wait3A_1000 : memref<400x32xf32, #tpu.memory_space<vmem>>) dst(%dma_wait3A_996 : memref<400x32xf32, #tpu.memory_space<hbm>>)
    %add3A_1001 = arith.constant 4800 : i32
    %add3A_1002 = arith.addi %mul3A_2, %add3A_1001 : i32
    %dma_wait3A_1003 = arith.constant 0 : i32
    %dma_wait3A_1004 = arith.constant 0 : i32
    %dma_wait3A_1005 = arith.constant 0 : i32
    %dma_wait3A_1006 = arith.constant 0 : i32
    %dma_wait3A_1007 = tpu.memref_slice %arg6[%dma_wait3A_1003, %dma_wait3A_1005, %dma_wait3A_1006] : memref<6x400x32xf32, #tpu.memory_space<vmem>> -> memref<1x400x32xf32, #tpu.memory_space<vmem>>
    %dma_wait3A_1008 = tpu.memref_squeeze %dma_wait3A_1007 : memref<1x400x32xf32, #tpu.memory_space<vmem>> -> memref<400x32xf32, #tpu.memory_space<vmem>>
    %dma_wait3A_1009 = arith.constant 0 : i32
    %dma_wait3A_1010 = tpu.memref_slice %arg4[%add3A_1002, %dma_wait3A_1009] : memref<204800x32xf32, #tpu.memory_space<hbm>> -> memref<400x32xf32, #tpu.memory_space<hbm>>
    %dma_wait3A_1011 = tpu.memref_slice %arg8[%dma_wait3A_1004] : memref<6x!tpu.dma_semaphore, #tpu.memory_space<semaphore_mem>> -> memref<1x!tpu.dma_semaphore, #tpu.memory_space<semaphore_mem>>
    %dma_wait3A_1012 = tpu.memref_squeeze %dma_wait3A_1011 : memref<1x!tpu.dma_semaphore, #tpu.memory_space<semaphore_mem>> -> memref<!tpu.dma_semaphore, #tpu.memory_space<semaphore_mem>>
    %dma_wait3A_1013 = arith.constant 0 : i32
    %dma_wait3A_1014 = tpu.memref_slice %arg4[%add3A_1002, %dma_wait3A_1013] : memref<204800x32xf32, #tpu.memory_space<hbm>> -> memref<400x32xf32, #tpu.memory_space<hbm>>
    %dma_wait3A_1015 = arith.constant 0 : i32
    %dma_wait3A_1016 = arith.constant 0 : i32
    %dma_wait3A_1017 = tpu.memref_slice %arg6[%dma_wait3A_1003, %dma_wait3A_1015, %dma_wait3A_1016] : memref<6x400x32xf32, #tpu.memory_space<vmem>> -> memref<1x400x32xf32, #tpu.memory_space<vmem>>
    %dma_wait3A_1018 = tpu.memref_squeeze %dma_wait3A_1017 : memref<1x400x32xf32, #tpu.memory_space<vmem>> -> memref<400x32xf32, #tpu.memory_space<vmem>>
    tpu.wait_dma2 semaphore(%dma_wait3A_1012 : memref<!tpu.dma_semaphore, #tpu.memory_space<semaphore_mem>>) src(%dma_wait3A_1018 : memref<400x32xf32, #tpu.memory_space<vmem>>) dst(%dma_wait3A_1014 : memref<400x32xf32, #tpu.memory_space<hbm>>)
    %add3A_1019 = arith.constant 5200 : i32
    %add3A_1020 = arith.addi %mul3A_2, %add3A_1019 : i32
    %dma_wait3A_1021 = arith.constant 1 : i32
    %dma_wait3A_1022 = arith.constant 1 : i32
    %dma_wait3A_1023 = arith.constant 0 : i32
    %dma_wait3A_1024 = arith.constant 0 : i32
    %dma_wait3A_1025 = tpu.memref_slice %arg6[%dma_wait3A_1021, %dma_wait3A_1023, %dma_wait3A_1024] : memref<6x400x32xf32, #tpu.memory_space<vmem>> -> memref<1x400x32xf32, #tpu.memory_space<vmem>>
    %dma_wait3A_1026 = tpu.memref_squeeze %dma_wait3A_1025 : memref<1x400x32xf32, #tpu.memory_space<vmem>> -> memref<400x32xf32, #tpu.memory_space<vmem>>
    %dma_wait3A_1027 = arith.constant 0 : i32
    %dma_wait3A_1028 = tpu.memref_slice %arg4[%add3A_1020, %dma_wait3A_1027] : memref<204800x32xf32, #tpu.memory_space<hbm>> -> memref<400x32xf32, #tpu.memory_space<hbm>>
    %dma_wait3A_1029 = tpu.memref_slice %arg8[%dma_wait3A_1022] : memref<6x!tpu.dma_semaphore, #tpu.memory_space<semaphore_mem>> -> memref<1x!tpu.dma_semaphore, #tpu.memory_space<semaphore_mem>>
    %dma_wait3A_1030 = tpu.memref_squeeze %dma_wait3A_1029 : memref<1x!tpu.dma_semaphore, #tpu.memory_space<semaphore_mem>> -> memref<!tpu.dma_semaphore, #tpu.memory_space<semaphore_mem>>
    %dma_wait3A_1031 = arith.constant 0 : i32
    %dma_wait3A_1032 = tpu.memref_slice %arg4[%add3A_1020, %dma_wait3A_1031] : memref<204800x32xf32, #tpu.memory_space<hbm>> -> memref<400x32xf32, #tpu.memory_space<hbm>>
    %dma_wait3A_1033 = arith.constant 0 : i32
    %dma_wait3A_1034 = arith.constant 0 : i32
    %dma_wait3A_1035 = tpu.memref_slice %arg6[%dma_wait3A_1021, %dma_wait3A_1033, %dma_wait3A_1034] : memref<6x400x32xf32, #tpu.memory_space<vmem>> -> memref<1x400x32xf32, #tpu.memory_space<vmem>>
    %dma_wait3A_1036 = tpu.memref_squeeze %dma_wait3A_1035 : memref<1x400x32xf32, #tpu.memory_space<vmem>> -> memref<400x32xf32, #tpu.memory_space<vmem>>
    tpu.wait_dma2 semaphore(%dma_wait3A_1030 : memref<!tpu.dma_semaphore, #tpu.memory_space<semaphore_mem>>) src(%dma_wait3A_1036 : memref<400x32xf32, #tpu.memory_space<vmem>>) dst(%dma_wait3A_1032 : memref<400x32xf32, #tpu.memory_space<hbm>>)
    %add3A_1037 = arith.constant 5600 : i32
    %add3A_1038 = arith.addi %mul3A_2, %add3A_1037 : i32
    %dma_wait3A_1039 = arith.constant 2 : i32
    %dma_wait3A_1040 = arith.constant 2 : i32
    %dma_wait3A_1041 = arith.constant 0 : i32
    %dma_wait3A_1042 = arith.constant 0 : i32
    %dma_wait3A_1043 = tpu.memref_slice %arg6[%dma_wait3A_1039, %dma_wait3A_1041, %dma_wait3A_1042] : memref<6x400x32xf32, #tpu.memory_space<vmem>> -> memref<1x400x32xf32, #tpu.memory_space<vmem>>
    %dma_wait3A_1044 = tpu.memref_squeeze %dma_wait3A_1043 : memref<1x400x32xf32, #tpu.memory_space<vmem>> -> memref<400x32xf32, #tpu.memory_space<vmem>>
    %dma_wait3A_1045 = arith.constant 0 : i32
    %dma_wait3A_1046 = tpu.memref_slice %arg4[%add3A_1038, %dma_wait3A_1045] : memref<204800x32xf32, #tpu.memory_space<hbm>> -> memref<400x32xf32, #tpu.memory_space<hbm>>
    %dma_wait3A_1047 = tpu.memref_slice %arg8[%dma_wait3A_1040] : memref<6x!tpu.dma_semaphore, #tpu.memory_space<semaphore_mem>> -> memref<1x!tpu.dma_semaphore, #tpu.memory_space<semaphore_mem>>
    %dma_wait3A_1048 = tpu.memref_squeeze %dma_wait3A_1047 : memref<1x!tpu.dma_semaphore, #tpu.memory_space<semaphore_mem>> -> memref<!tpu.dma_semaphore, #tpu.memory_space<semaphore_mem>>
    %dma_wait3A_1049 = arith.constant 0 : i32
    %dma_wait3A_1050 = tpu.memref_slice %arg4[%add3A_1038, %dma_wait3A_1049] : memref<204800x32xf32, #tpu.memory_space<hbm>> -> memref<400x32xf32, #tpu.memory_space<hbm>>
    %dma_wait3A_1051 = arith.constant 0 : i32
    %dma_wait3A_1052 = arith.constant 0 : i32
    %dma_wait3A_1053 = tpu.memref_slice %arg6[%dma_wait3A_1039, %dma_wait3A_1051, %dma_wait3A_1052] : memref<6x400x32xf32, #tpu.memory_space<vmem>> -> memref<1x400x32xf32, #tpu.memory_space<vmem>>
    %dma_wait3A_1054 = tpu.memref_squeeze %dma_wait3A_1053 : memref<1x400x32xf32, #tpu.memory_space<vmem>> -> memref<400x32xf32, #tpu.memory_space<vmem>>
    tpu.wait_dma2 semaphore(%dma_wait3A_1048 : memref<!tpu.dma_semaphore, #tpu.memory_space<semaphore_mem>>) src(%dma_wait3A_1054 : memref<400x32xf32, #tpu.memory_space<vmem>>) dst(%dma_wait3A_1050 : memref<400x32xf32, #tpu.memory_space<hbm>>)
    %add3A_1055 = arith.constant 6000 : i32
    %add3A_1056 = arith.addi %mul3A_2, %add3A_1055 : i32
    %dma_wait3A_1057 = arith.constant 3 : i32
    %dma_wait3A_1058 = arith.constant 3 : i32
    %dma_wait3A_1059 = arith.constant 0 : i32
    %dma_wait3A_1060 = arith.constant 0 : i32
    %dma_wait3A_1061 = tpu.memref_slice %arg6[%dma_wait3A_1057, %dma_wait3A_1059, %dma_wait3A_1060] : memref<6x400x32xf32, #tpu.memory_space<vmem>> -> memref<1x400x32xf32, #tpu.memory_space<vmem>>
    %dma_wait3A_1062 = tpu.memref_squeeze %dma_wait3A_1061 : memref<1x400x32xf32, #tpu.memory_space<vmem>> -> memref<400x32xf32, #tpu.memory_space<vmem>>
    %dma_wait3A_1063 = arith.constant 0 : i32
    %dma_wait3A_1064 = tpu.memref_slice %arg4[%add3A_1056, %dma_wait3A_1063] : memref<204800x32xf32, #tpu.memory_space<hbm>> -> memref<400x32xf32, #tpu.memory_space<hbm>>
    %dma_wait3A_1065 = tpu.memref_slice %arg8[%dma_wait3A_1058] : memref<6x!tpu.dma_semaphore, #tpu.memory_space<semaphore_mem>> -> memref<1x!tpu.dma_semaphore, #tpu.memory_space<semaphore_mem>>
    %dma_wait3A_1066 = tpu.memref_squeeze %dma_wait3A_1065 : memref<1x!tpu.dma_semaphore, #tpu.memory_space<semaphore_mem>> -> memref<!tpu.dma_semaphore, #tpu.memory_space<semaphore_mem>>
    %dma_wait3A_1067 = arith.constant 0 : i32
    %dma_wait3A_1068 = tpu.memref_slice %arg4[%add3A_1056, %dma_wait3A_1067] : memref<204800x32xf32, #tpu.memory_space<hbm>> -> memref<400x32xf32, #tpu.memory_space<hbm>>
    %dma_wait3A_1069 = arith.constant 0 : i32
    %dma_wait3A_1070 = arith.constant 0 : i32
    %dma_wait3A_1071 = tpu.memref_slice %arg6[%dma_wait3A_1057, %dma_wait3A_1069, %dma_wait3A_1070] : memref<6x400x32xf32, #tpu.memory_space<vmem>> -> memref<1x400x32xf32, #tpu.memory_space<vmem>>
    %dma_wait3A_1072 = tpu.memref_squeeze %dma_wait3A_1071 : memref<1x400x32xf32, #tpu.memory_space<vmem>> -> memref<400x32xf32, #tpu.memory_space<vmem>>
    tpu.wait_dma2 semaphore(%dma_wait3A_1066 : memref<!tpu.dma_semaphore, #tpu.memory_space<semaphore_mem>>) src(%dma_wait3A_1072 : memref<400x32xf32, #tpu.memory_space<vmem>>) dst(%dma_wait3A_1068 : memref<400x32xf32, #tpu.memory_space<hbm>>)
    return
  }
}

</mosaic_0001>

<sc_bundles>
// kernel: kernel.3.cloned.1.call-start
scs
__scs_entry_jumppad:
0x0: {  	(pc) =	sbr.rel $0x88, $3  }
0x1: {  	(tag) =	ssettag $0x0;
	lr =	simm.s32 $0x1  }
0x2: {  	[smem:$0x3F9F] =	sst lr;
	_ =	strace $0xD0000000  }
0x3: {  	_ = 	snop  }
0x4: {  	_ = 	snop  }
0x5: {  	_ = 	snop  }
0x6: {  	_ = 	snop  }
0x7: {  	_ = 	snop  }
__scs_overlays_trampoline_lowered:
0x8: {  	[smem:$0x3FAE] =	sst s0  }
0x9: {  	[smem:$0x3FAF] =	sst s1  }
0xa: {  	[smem:$0x3FB0] =	sst s2  }
0xb: {  	[smem:$0x3FB1] =	sst s3  }
0xc: {  	[smem:$0x3FB2] =	sst s4  }
0xd: {  	[smem:$0x3FB3] =	sst s5  }
0xe: {  	[smem:$0x3FB4] =	sst s6  }
0xf: {  	[smem:$0x3FB5] =	sst s7  }
0x10: {  	[smem:$0x3FB6] =	sst s8  }
0x11: {  	[smem:$0x3FB7] =	sst s9;
	s0 =	simm.s32 @!p0 $0x0  }
0x12: {  	s1 =	sld [smem:$0x3F9D];
	s0 =	simm.s32 @p0 $0x1  }
0x13: {  	[smem:$0x3FB8] =	sst s0;
	s0 =	simm.s32 @!p1 $0x0  }
0x14: {  	s2 =	sld [smem:$0x3F9C];
	s0 =	simm.s32 @p1 $0x1  }
0x15: {  	[smem:$0x3FB9] =	sst s0;
	s0 =	simm.s32 @!p2 $0x0  }
0x16: {  	s3 =	sld [smem:$0x3FDB];
	s0 =	simm.s32 @p2 $0x1  }
0x17: {  	s4 =	simm.s32 $0x1BF5;
	[smem:$0x3FBB] =	sst s0  }
0x18: {  	s0 =	sld [smem:$0x3F9E];
	_ =	swait.ge [sflag:s4], $0x0  }
0x19: {  	s7 =	sld [smem:$0x3F9F]  }
0x1a: {  	s8 =	sadd.s32 $0xFFFFE003, lr  }
0x1b: {  	s9 =	sadd.s32 $0xFFFFFEF7, lr;
	s5 =	simm.s32 $0xFFFFFFFF;
	p2 =	slt.u32 s8, $0xFFFFF086  }
0x1c: {  	p1 =	slt.u32 s9, $0xF7A;
	s5 =	simm.s32 @!p2 $0x0  }
0x1d: {  	s5 =	simm.s32 @p1 $0x1;
	p0 =	seq.s32 s7, s2  }
0x1e: {  	s7 =	smul.u32 @!p0 $0xF7A, s2;
	p2 =	seq.s32 @!p0 s5, $0x0  }
0x1f: {  	s9 =	smul.u32 $0xF7A, s1;
	s8 =	simm.s32 @!p0 $0x1BF5;
	p2 =	por !p2, p0  }
0x20: {  	[sflag:s8] =	ssyncset.s32 @!p0 $0xFFFFF086;
	s6 =	sadd.s32 @!p0 s3, s7;
	s7 =	simm.s32 @!p0 $0x108  }
0x21: {  	s3 =	sadd.s32 s3, s9;
	s6 =	sadd.s32 @!p0 $0x88, s6;
	s7 =	simm.s32 @p2 $0x1082  }
0x22: {  	[simem:s7], [sflag:s8] =	dma.local @!p0 [hbm:s6], $0xF7A  }
0x23: {  	s9 =	sor.u32 $0xD0000000, s2;
	s6 =	simm.s32 $0x108;
	_ =	swait.ge @!p0 [sflag:s8], $0x0  }
0x24: {  	s3 =	sadd.s32 $0x88, s3;
	s6 =	simm.s32 @!p1 $0x1082;
	[sflag:s4] =	ssyncset.s32 $0xFFFFF086  }
0x25: {  	[simem:s6], [sflag:s4] =	dma.local [hbm:s3], $0xF7A  }
0x26: {  	[smem:$0x3F9F] =	sst s1;
	(tag) =	ssettag s2;
	_ =	strace s9  }
0x27: {  	s1 =	sld [smem:$0x3FAF]  }
0x28: {  	s2 =	sld [smem:$0x3FB0]  }
0x29: {  	s4 =	sld [smem:$0x3FB2]  }
0x2a: {  	p0 =	seq.s32 s5, $0x0;
	s5 =	sld [smem:$0x3FB3]  }
0x2b: {  	s6 =	sld [smem:$0x3FB4]  }
0x2c: {  	s7 =	sld [smem:$0x3FB5]  }
0x2d: {  	s3 =	simm.s32 $0x108;
	s8 =	sld [smem:$0x3FB6]  }
0x2e: {  	s3 =	simm.s32 @!p0 $0x1082;
	s9 =	sld [smem:$0x3FB7]  }
0x2f: {  	lr =	sadd.s32 s0, s3;
	s0 =	sld [smem:$0x3FAE]  }
0x30: {  	s3 =	sld [smem:$0x3FB1]  }
0x31: {  	[smem:$0x3FBA] =	sst s10  }
0x32: {  	s10 =	sld [smem:$0x3FB8];
	_ =	sdelay $0x3  }
0x33: {  	p0 =	seq.s32 s10, $0x1;
	s10 =	sld [smem:$0x3FBA];
	_ =	sdelay $0x3  }
0x34: {  	[smem:$0x3FBA] =	sst s10  }
0x35: {  	s10 =	sld [smem:$0x3FB9];
	_ =	sdelay $0x3  }
0x36: {  	p1 =	seq.s32 s10, $0x1;
	s10 =	sld [smem:$0x3FBA];
	_ =	sdelay $0x3  }
0x37: {  	[smem:$0x3FBA] =	sst s10  }
0x38: {  	s10 =	sld [smem:$0x3FBB]  }
0x39: {  	_ = 	snop;
	(pc) =	sbr.ind lr, $3  }
0x3a: {  	_ = 	snop  }
0x3b: {  	_ = 	snop  }
0x3c: {  	p2 =	seq.s32 s10, $0x1;
	s10 =	sld [smem:$0x3FBA]  }
0x3d: {  	_ =	shalt  }
0x3e: {  	_ =	shalt  }
0x3f: {  	_ =	shalt  }
0x40: {  	_ =	shalt  }
0x41: {  	_ =	shalt  }
0x42: {  	_ =	shalt  }
0x43: {  	_ =	shalt  }
0x44: {  	_ =	shalt  }
0x45: {  	_ =	shalt  }
0x46: {  	_ =	shalt  }
0x47: {  	_ =	shalt  }
0x48: {  	_ =	shalt  }
0x49: {  	_ =	shalt  }
0x4a: {  	_ =	shalt  }
0x4b: {  	_ =	shalt  }
0x4c: {  	_ =	shalt  }
0x4d: {  	_ =	shalt  }
0x4e: {  	_ =	shalt  }
0x4f: {  	_ =	shalt  }
0x50: {  	_ =	shalt  }
0x51: {  	_ =	shalt  }
0x52: {  	_ =	shalt  }
0x53: {  	_ =	shalt  }
0x54: {  	_ =	shalt  }
0x55: {  	_ =	shalt  }
0x56: {  	_ =	shalt  }
0x57: {  	_ =	shalt  }
0x58: {  	_ =	shalt  }
0x59: {  	_ =	shalt  }
0x5a: {  	_ =	shalt  }
0x5b: {  	_ =	shalt  }
0x5c: {  	_ =	shalt  }
0x5d: {  	_ =	shalt  }
0x5e: {  	_ =	shalt  }
0x5f: {  	_ =	shalt  }
0x60: {  	_ =	shalt  }
0x61: {  	_ =	shalt  }
0x62: {  	_ =	shalt  }
0x63: {  	_ =	shalt  }
0x64: {  	_ =	shalt  }
0x65: {  	_ =	shalt  }
0x66: {  	_ =	shalt  }
0x67: {  	_ =	shalt  }
0x68: {  	_ =	shalt  }
0x69: {  	_ =	shalt  }
0x6a: {  	_ =	shalt  }
0x6b: {  	_ =	shalt  }
0x6c: {  	_ =	shalt  }
0x6d: {  	_ =	shalt  }
0x6e: {  	_ =	shalt  }
0x6f: {  	_ =	shalt  }
0x70: {  	_ =	shalt  }
0x71: {  	_ =	shalt  }
0x72: {  	_ =	shalt  }
0x73: {  	_ =	shalt  }
0x74: {  	_ =	shalt  }
0x75: {  	_ =	shalt  }
0x76: {  	_ =	shalt  }
0x77: {  	_ =	shalt  }
0x78: {  	_ =	shalt  }
0x79: {  	_ =	shalt  }
0x7a: {  	_ =	shalt  }
0x7b: {  	_ =	shalt  }
0x7c: {  	_ =	shalt  }
0x7d: {  	_ =	shalt  }
0x7e: {  	_ =	shalt  }
0x7f: {  	_ =	shalt  }
0x80: {  	_ =	shalt  }
0x81: {  	_ =	shalt  }
0x82: {  	_ =	shalt  }
0x83: {  	_ =	shalt  }
0x84: {  	_ =	shalt  }
0x85: {  	_ =	shalt  }
0x86: {  	_ =	shalt  }
0x87: {  	_ =	shalt  }
.Lfunc_end0:
.L_simem_size_0:
called_computation_lowered:
.L_overlay_start_0:
0x88: {  	s2 =	sld [smem:$0x3FD9]  }
0x89: {  	s3 =	sld [smem:$0x3FFE];
	_ =	sdelay $0x1  }
0x8a: {  	s1 =	srdreg.scid  }
0x8b: {  	s0 =	sand.u32 $0x1, s1  }
0x8c: {  	s17 =	sshll.u32 s0, $0xA;
	s2 =	sadd.s32 s3, s2  }
0x8d: {  	s2 =	sadd.s32 s2, s17  }
0x8e: {  	[smem:$0x3FC6] =	sst s2  }
0x8f: {  	_ = 	snop  }
0x90: {  	s2 =	sld [smem:$0x3FD0];
	(tm) =	ssettm $0x1  }
0x91: {  	s18 =	sld [smem:$0x3FFB];
	_ =	sdelay $0x3  }
0x92: {  	_ =	strace s18  }
0x93: {  	s3 =	sld [smem:$0x3FFC];
	_ =	sdelay $0x3  }
0x94: {  	_ =	strace s3  }
0x95: {  	s3 =	sld [smem:$0x3FFD];
	_ =	sdelay $0x3  }
0x96: {  	_ =	strace s3  }
0x97: {  	_ =	strace $0x8FFFFFFF  }
0x98: {  	s19 =	sld [smem:$0x3FDB];
	_ =	sdelay $0x1  }
0x99: {  	s4 =	simm.s32 $_scs_section_size  }
0x9a: {  	s5 =	simm.s32 $_size__tile_overlayer_lowered;
	s6 =	simm.s32 $_tile_overlayer_lowered  }
0x9b: {  	s22 =	simm.s32 $0x1BFF;
	s21 =	sshll.u32 s6, $0x1;
	s3 =	sadd.s32 s4, s19  }
0x9c: {  	s7 =	simm.s32 $0x0;
	s20 =	sshll.u32 s5, $0x1;
	s5 =	sadd.s32 s21, s3  }
0x9d: {  	[timem:s7], [sflag:s22] =	dma.local [hbm:s5], s20  }
0x9e: {  	_ =	swait.ge [sflag:s22], s20  }
0x9f: {  	s4 =	ssub.s32 $0x0, s20;
	[sflag:s22] =	ssyncset.done $0x0  }
0xa0: {  	[sflag:s22] =	ssyncadd.s32 s4;
	_ =	sdelay $0x1  }
0xa1: {  	s23 =	simm.s32 $0x1B8B  }
0xa2: {  	_ =	swait.ge [sflag:s23], $0x1  }
0xa3: {  	[sflag:s23] =	ssyncset.done $0x0  }
0xa4: {  	s25 =	simm.s32 $0x1B8E;
	s24 =	sld [smem:$0x3FFE];
	[sflag:s23] =	ssyncadd.s32 $0xFFFFFFFF  }
0xa5: {  	s26 =	simm.s32 $execute0_lowered;
	[smem:$0x3FD2] =	sst s25  }
0xa6: {  	s5 =	sshll.u32 s26, $0x1;
	_ =	strace $0x80000046;
	[dreg:$0x1] =	wrdreg $0xFFFFFFFF  }
0xa7: {  	s28 =	simm.s32 $_size_execute0_lowered;
	s3 =	sadd.s32 s3, s5;
	[dreg:$0x0] =	wrdreg $0x0  }
0xa8: {  	s5 =	sshll.u32 s28, $0x1;
	[dreg:$0x2] =	wrdreg s3  }
0xa9: {  	[dreg:$0x3] =	wrdreg s5  }
0xaa: {  	[dreg:$0x4] =	wrdreg $0xC0  }
0xab: {  	_ =	task [dreg:s7], $0x5FFFF  }
0xac: {  	[dreg:$0x1] =	wrdreg $0xFFFFFFFF  }
0xad: {  	[dreg:$0x0] =	wrdreg $0x60  }
0xae: {  	[dreg:$0x2] =	wrdreg s24  }
0xaf: {  	[dreg:$0x3] =	wrdreg s2  }
0xb0: {  	[dreg:$0x4] =	wrdreg $0x9  }
0xb1: {  	_ =	task.clear_ibuf [dreg:s7], $0x5FFFF;
	_ =	strace $0x90000046  }
0xb2: {  	s29 =	simm.s32 $0x9;
	_ =	strace $0x80000048  }
0xb3: {  	_ =	swait.ge [sflag:s29], $0x1  }
0xb4: {  	[sflag:s29] =	ssyncadd.s32 $0xFFFFFFFF  }
0xb5: {  	_ =	strace $0x90000048  }
0xb6: {  	_ =	sfence  }
0xb7: {  	s30 =	sld [smem:$0x0];
	_ =	sdelay $0x2  }
0xb8: {  	s31 =	sshll.u32 s1, $0xD;
	s1 =	sshrl.u32 s1, $0x2  }
0xb9: {  	s3 =	sand.u32 $0x4000, s31;
	s1 =	sadd.s32 s1, s30  }
0xba: {  	s0 =	sor.u32 s3, s0;
	s1 =	sshll.u32 s1, $0x11  }
0xbb: {  	s0 =	sor.u32 s1, s0  }
0xbc: {  	s0 =	sadd.s32 $0x8F2B, s0  }
0xbd: {  	[sflag:s0] =	ssyncadd.remote.s32 $0x1  }
0xbe: {  	_ =	sfence.sel $0xFFFF  }
0xbf: {  	[dreg:$0x0] =	wrdreg $0xFFFFFFFF;
	(pc) =	sbr.abs _section_cstart, $3  }
0xc0: {  	[dreg:$0x1] =	wrdreg $0xFFFFFFFF  }
0xc1: {  	_ =	task.clear_ibuf [dreg:s7], $0x2FFFF;
	_ =	strace $0x9FFFFFFF  }
0xc2: {  	(tm) =	ssettm $0x7FFFFFFF  }
0xc3: {  	_ =	shalt  }
tec
execute0_lowered:
.L_overlay_start_1:
0x0: {  	(tag) =	ssettag $0x1  }
0x1: {  	s0 =	srdreg.scid;
	s3 =	rddreg [dreg:$0x0]  }
0x2: {  	s18 =	stileid.u32;
	s4 =	rddreg [dreg:$0x1];
	s2 =	simm.s32 $0x0  }
0x3: {  	s31 =	simm.s32 $0x9;
	s0 =	sand.u32 $0x1, s0;
	s1 =	sshll.u32 s18, $0x1  }
0x4: {  	s24 =	simm.s32 $0x320;
	s25 =	simm.s32 $0x4B0;
	s1 =	sor.u32 s0, s1  }
0x5: {  	s26 =	simm.s32 $0x640;
	[smem:$0x7FF] =	sst s2;
	s5 =	smul.u32 $0x320, s1  }
0x6: {  	_ =	strace $0x80000047;
	[dreg:$0x14] =	wrdreg s24;
	s6 =	smul.u32 $0x32000, s1  }
0x7: {  	s30 =	simm.s32 $0x960;
	[dreg:$0x15] =	wrdreg s25;
	s1 =	smul.u32 $0x6400, s1  }
0x8: {  	s29 =	simm.s32 $0xAF0;
	s28 =	simm.s32 $0xC80;
	[dreg:$0x16] =	wrdreg s26  }
0x9: {  	s5 =	sadd.s32 s5, s3;
	s6 =	sshrl.u32 s6, $0x3;
	s1 =	sadd.s32 s4, s1  }
0xa: {  	s5 =	sadd.s32 $0x600, s5;
	s4 =	sadd.s32 s4, s6;
	[dreg:$0x4] =	wrdreg s1  }
0xb: {  	p0 =	por $0x0, $0x0;
	[dreg:$0x3] =	wrdreg s5;
	s7 =	sadd.s32 $0x640, s4  }
0xc: {  	s0 =	ssub.s32 $0x2, s0;
	s8 =	sadd.s32 $0xC80, s4;
	[dreg:$0x5] =	wrdreg s7  }
0xd: {  	s26 =	simm.s32 $0xE10;
	s9 =	sadd.s32 $0x12C0, s4;
	[dreg:$0x6] =	wrdreg s8  }
0xe: {  	s25 =	simm.s32 $0xFA0;
	s10 =	sadd.s32 $0x1900, s4;
	[dreg:$0x7] =	wrdreg s9  }
0xf: {  	s24 =	simm.s32 $0x1130;
	s11 =	sadd.s32 $0x1F40, s4;
	[dreg:$0x8] =	wrdreg s10  }
0x10: {  	s21 =	sshrl.u32 s0, $0x1;
	s12 =	sadd.s32 $0x2580, s4;
	[dreg:$0x9] =	wrdreg s11  }
0x11: {  	s0 =	ssub.s32 s0, s21;
	s13 =	sadd.s32 $0x2BC0, s4;
	[dreg:$0xa] =	wrdreg s12  }
0x12: {  	s21 =	simm.s32 $0x15E0;
	s14 =	sadd.s32 $0x3200, s4;
	[dreg:$0xb] =	wrdreg s13  }
0x13: {  	s3 =	sadd.s32 $0xF42A00, s3;
	s15 =	sadd.s32 $0x3840, s4;
	[dreg:$0xc] =	wrdreg s14  }
0x14: {  	s0 =	smax.u32 s0, $0x1;
	s16 =	sadd.s32 $0x3E80, s4;
	[dreg:$0xd] =	wrdreg s15  }
0x15: {  	s6 =	simm.s32 $0x4;
	s17 =	sadd.s32 $0x44C0, s4;
	[dreg:$0xe] =	wrdreg s16  }
0x16: {  	p1 =	sne.s32 s0, $0x1;
	s19 =	sadd.s32 $0x4B00, s4;
	[dreg:$0xf] =	wrdreg s17  }
0x17: {  	s1 =	sadd.s32 $0xFFFFFFFF, s0;
	s20 =	sadd.s32 $0x5140, s4;
	[dreg:$0x10] =	wrdreg s19  }
0x18: {  	s22 =	sadd.s32 $0x5780, s4;
	s23 =	sadd.s32 $0x5DC0, s4;
	[dreg:$0x11] =	wrdreg s20  }
0x19: {  	s5 =	simm.s32 $0x5;
	s4 =	simm.s32 $0x6;
	[dreg:$0x12] =	wrdreg s22  }
0x1a: {  	[dreg:$0x13] =	wrdreg s23;
	s13 =	simm.s32 $0x190;
	s14 =	simm.s32 $0x1900  }
.Ltmp0:
0x1b: {  	s11 =	simm.s32 $0x4B00;
	s9 =	simm.s32 $0x7D00;
	(pc) =	sbr.rel @!p1 .LBB2_1-.Ltmp0, $4  }
0x1c: {  	s12 =	simm.s32 $0x1;
	s8 =	simm.s32 $0xAF00;
	s10 =	simm.s32 $0x2  }
0x1d: {  	s19 =	simm.s32 $0xE100;
	s17 =	simm.s32 $0x11300;
	s7 =	simm.s32 $0x3  }
0x1e: {  	s15 =	simm.s32 $0x7;
	s16 =	simm.s32 $0x8;
	s23 =	simm.s32 $0x12C0  }
0x1f: {  	s22 =	simm.s32 $0x1450;
	s20 =	simm.s32 $0x1770;
	s0 =	rddreg [dreg:$0x3]  }
0x20: {  	[tilespmem:s2], [sflag:$0x9] =	stream.linear.gather [hbm4b:s0+s2], $0x1900, $0x38;
	[tilespmem:$0x14500] =	vst v63  }
0x21: {  	_ =	swait.ge [sflag:s31], $0x1900  }
0x22: {  	[sflag:s31] =	ssyncset.done $0x0  }
0x23: {  	[sflag:s31] =	ssyncadd.s32 $0xFFFFE700  }
0x24: {  	[tilespmem:s14], [sflag:$0x1] =	stream.indirect.gather [hbm4b:s3+s13], $0x20, s2, s13, $0xb8;
	[tilespmem:$0x14500] =	vst v63  }
0x25: {  	_ = 	snop  }
0x26: {  	[tilespmem:s11], [sflag:$0x2] =	stream.indirect.gather [hbm4b:s3+s13], $0x20, s13, s13, $0xb8;
	[tilespmem:$0x14500] =	vst v63  }
0x27: {  	s18 =	rddreg [dreg:$0x14]  }
0x28: {  	[tilespmem:s9], [sflag:$0x1] =	stream.indirect.gather [hbm4b:s3+s13], $0x20, s18, s13, $0xb8;
	[tilespmem:$0x14500] =	vst v63  }
0x29: {  	_ =	swait.ge [sflag:s12], $0x3200  }
0x2a: {  	[sflag:s12] =	ssyncset.done $0x0  }
0x2b: {  	s0 =	rddreg [dreg:$0x4];
	[sflag:s12] =	ssyncadd.s32 $0xFFFFCE00  }
0x2c: {  	[hbm4b:s0+s2] =	stream.linear.scatter [tilespmem:s14], [sflag:$0x3], $0x3200, $0x38;
	[tilespmem:$0x14500] =	vst v63  }
0x2d: {  	s18 =	smov.u32 s1;
	s1 =	rddreg [dreg:$0x15]  }
0x2e: {  	[tilespmem:s8], [sflag:$0x2] =	stream.indirect.gather [hbm4b:s3+s13], $0x20, s1, s13, $0xb8;
	[tilespmem:$0x14500] =	vst v63  }
0x2f: {  	_ =	swait.ge [sflag:s10], $0x3200  }
0x30: {  	[sflag:s10] =	ssyncset.done $0x0  }
0x31: {  	s0 =	rddreg [dreg:$0x5];
	[sflag:s10] =	ssyncadd.s32 $0xFFFFCE00  }
0x32: {  	[hbm4b:s0+s2] =	stream.linear.scatter [tilespmem:s11], [sflag:$0x4], $0x3200, $0x38;
	[tilespmem:$0x14500] =	vst v63  }
0x33: {  	s1 =	rddreg [dreg:$0x16]  }
0x34: {  	[tilespmem:s19], [sflag:$0x1] =	stream.indirect.gather [hbm4b:s3+s13], $0x20, s1, s13, $0xb8;
	[tilespmem:$0x14500] =	vst v63  }
0x35: {  	_ =	swait.ge [sflag:s12], $0x3200  }
0x36: {  	[sflag:s12] =	ssyncset.done $0x0  }
0x37: {  	s1 =	rddreg [dreg:$0x6];
	[sflag:s12] =	ssyncadd.s32 $0xFFFFCE00  }
0x38: {  	[hbm4b:s1+s2] =	stream.linear.scatter [tilespmem:s9], [sflag:$0x5], $0x3200, $0x38;
	[tilespmem:$0x14500] =	vst v63  }
0x39: {  	s1 =	simm.s32 $0x7D0  }
0x3a: {  	[tilespmem:s17], [sflag:$0x2] =	stream.indirect.gather [hbm4b:s3+s13], $0x20, s1, s13, $0xb8;
	[tilespmem:$0x14500] =	vst v63  }
0x3b: {  	_ =	swait.ge [sflag:s10], $0x3200  }
0x3c: {  	[sflag:s10] =	ssyncset.done $0x0  }
0x3d: {  	s1 =	rddreg [dreg:$0x7];
	[sflag:s10] =	ssyncadd.s32 $0xFFFFCE00  }
0x3e: {  	[hbm4b:s1+s2] =	stream.linear.scatter [tilespmem:s8], [sflag:$0x6], $0x3200, $0x38;
	[tilespmem:$0x14500] =	vst v63  }
0x3f: {  	_ =	swait.ge [sflag:s7], $0x3200  }
0x40: {  	[sflag:s7] =	ssyncset.done $0x0  }
0x41: {  	[sflag:s7] =	ssyncadd.s32 $0xFFFFCE00  }
0x42: {  	[tilespmem:s14], [sflag:$0x1] =	stream.indirect.gather [hbm4b:s3+s13], $0x20, s30, s13, $0xb8;
	[tilespmem:$0x14500] =	vst v63  }
0x43: {  	_ =	swait.ge [sflag:s12], $0x3200  }
0x44: {  	[sflag:s12] =	ssyncset.done $0x0  }
0x45: {  	s1 =	rddreg [dreg:$0x8];
	[sflag:s12] =	ssyncadd.s32 $0xFFFFCE00  }
0x46: {  	[hbm4b:s1+s2] =	stream.linear.scatter [tilespmem:s19], [sflag:$0x7], $0x3200, $0x38;
	[tilespmem:$0x14500] =	vst v63  }
0x47: {  	_ =	swait.ge [sflag:s6], $0x3200  }
0x48: {  	[sflag:s6] =	ssyncset.done $0x0  }
0x49: {  	[sflag:s6] =	ssyncadd.s32 $0xFFFFCE00  }
0x4a: {  	[tilespmem:s11], [sflag:$0x2] =	stream.indirect.gather [hbm4b:s3+s13], $0x20, s29, s13, $0xb8;
	[tilespmem:$0x14500] =	vst v63  }
0x4b: {  	_ =	swait.ge [sflag:s10], $0x3200  }
0x4c: {  	[sflag:s10] =	ssyncset.done $0x0  }
0x4d: {  	s1 =	rddreg [dreg:$0x9];
	[sflag:s10] =	ssyncadd.s32 $0xFFFFCE00  }
0x4e: {  	[hbm4b:s1+s2] =	stream.linear.scatter [tilespmem:s17], [sflag:$0x8], $0x3200, $0x38;
	[tilespmem:$0x14500] =	vst v63  }
0x4f: {  	_ =	swait.ge [sflag:s5], $0x3200  }
0x50: {  	[sflag:s5] =	ssyncset.done $0x0  }
0x51: {  	[sflag:s5] =	ssyncadd.s32 $0xFFFFCE00  }
0x52: {  	[tilespmem:s9], [sflag:$0x1] =	stream.indirect.gather [hbm4b:s3+s13], $0x20, s28, s13, $0xb8;
	[tilespmem:$0x14500] =	vst v63  }
0x53: {  	_ =	swait.ge [sflag:s12], $0x3200  }
0x54: {  	[sflag:s12] =	ssyncset.done $0x0  }
0x55: {  	s1 =	rddreg [dreg:$0xa];
	[sflag:s12] =	ssyncadd.s32 $0xFFFFCE00  }
0x56: {  	[hbm4b:s1+s2] =	stream.linear.scatter [tilespmem:s14], [sflag:$0x3], $0x3200, $0x38;
	[tilespmem:$0x14500] =	vst v63  }
0x57: {  	_ =	swait.ge [sflag:s4], $0x3200  }
0x58: {  	[sflag:s4] =	ssyncset.done $0x0  }
0x59: {  	[sflag:s4] =	ssyncadd.s32 $0xFFFFCE00  }
0x5a: {  	[tilespmem:s8], [sflag:$0x2] =	stream.indirect.gather [hbm4b:s3+s13], $0x20, s26, s13, $0xb8;
	[tilespmem:$0x14500] =	vst v63  }
0x5b: {  	_ =	swait.ge [sflag:s10], $0x3200  }
0x5c: {  	[sflag:s10] =	ssyncset.done $0x0  }
0x5d: {  	s1 =	rddreg [dreg:$0xb];
	[sflag:s10] =	ssyncadd.s32 $0xFFFFCE00  }
0x5e: {  	[hbm4b:s1+s2] =	stream.linear.scatter [tilespmem:s11], [sflag:$0x4], $0x3200, $0x38;
	[tilespmem:$0x14500] =	vst v63  }
0x5f: {  	_ =	swait.ge [sflag:s15], $0x3200  }
0x60: {  	[sflag:s15] =	ssyncset.done $0x0  }
0x61: {  	[sflag:s15] =	ssyncadd.s32 $0xFFFFCE00  }
0x62: {  	[tilespmem:s19], [sflag:$0x1] =	stream.indirect.gather [hbm4b:s3+s13], $0x20, s25, s13, $0xb8;
	[tilespmem:$0x14500] =	vst v63  }
0x63: {  	_ =	swait.ge [sflag:s12], $0x3200  }
0x64: {  	[sflag:s12] =	ssyncset.done $0x0  }
0x65: {  	s1 =	rddreg [dreg:$0xc];
	[sflag:s12] =	ssyncadd.s32 $0xFFFFCE00  }
0x66: {  	[hbm4b:s1+s2] =	stream.linear.scatter [tilespmem:s9], [sflag:$0x5], $0x3200, $0x38;
	[tilespmem:$0x14500] =	vst v63  }
0x67: {  	_ =	swait.ge [sflag:s16], $0x3200  }
0x68: {  	[sflag:s16] =	ssyncset.done $0x0  }
0x69: {  	[sflag:s16] =	ssyncadd.s32 $0xFFFFCE00  }
0x6a: {  	[tilespmem:s17], [sflag:$0x2] =	stream.indirect.gather [hbm4b:s3+s13], $0x20, s24, s13, $0xb8;
	[tilespmem:$0x14500] =	vst v63  }
0x6b: {  	_ =	swait.ge [sflag:s10], $0x3200  }
0x6c: {  	[sflag:s10] =	ssyncset.done $0x0  }
0x6d: {  	s1 =	rddreg [dreg:$0xd];
	[sflag:s10] =	ssyncadd.s32 $0xFFFFCE00  }
0x6e: {  	[hbm4b:s1+s2] =	stream.linear.scatter [tilespmem:s8], [sflag:$0x6], $0x3200, $0x38;
	[tilespmem:$0x14500] =	vst v63  }
0x6f: {  	_ =	swait.ge [sflag:s7], $0x3200  }
0x70: {  	[sflag:s7] =	ssyncset.done $0x0  }
0x71: {  	[sflag:s7] =	ssyncadd.s32 $0xFFFFCE00  }
0x72: {  	[tilespmem:s14], [sflag:$0x1] =	stream.indirect.gather [hbm4b:s3+s13], $0x20, s23, s13, $0xb8;
	[tilespmem:$0x14500] =	vst v63  }
0x73: {  	_ =	swait.ge [sflag:s12], $0x3200  }
0x74: {  	[sflag:s12] =	ssyncset.done $0x0  }
0x75: {  	s1 =	rddreg [dreg:$0xe];
	[sflag:s12] =	ssyncadd.s32 $0xFFFFCE00  }
0x76: {  	[hbm4b:s1+s2] =	stream.linear.scatter [tilespmem:s19], [sflag:$0x7], $0x3200, $0x38;
	[tilespmem:$0x14500] =	vst v63  }
0x77: {  	_ =	swait.ge [sflag:s6], $0x3200  }
0x78: {  	[sflag:s6] =	ssyncset.done $0x0  }
0x79: {  	[sflag:s6] =	ssyncadd.s32 $0xFFFFCE00  }
0x7a: {  	[tilespmem:s11], [sflag:$0x2] =	stream.indirect.gather [hbm4b:s3+s13], $0x20, s22, s13, $0xb8;
	[tilespmem:$0x14500] =	vst v63  }
0x7b: {  	_ =	swait.ge [sflag:s10], $0x3200  }
0x7c: {  	[sflag:s10] =	ssyncset.done $0x0  }
0x7d: {  	s1 =	rddreg [dreg:$0xf];
	[sflag:s10] =	ssyncadd.s32 $0xFFFFCE00  }
0x7e: {  	[hbm4b:s1+s2] =	stream.linear.scatter [tilespmem:s17], [sflag:$0x8], $0x3200, $0x38;
	[tilespmem:$0x14500] =	vst v63  }
0x7f: {  	_ =	swait.ge [sflag:s5], $0x3200  }
0x80: {  	[sflag:s5] =	ssyncset.done $0x0  }
0x81: {  	[sflag:s5] =	ssyncadd.s32 $0xFFFFCE00  }
0x82: {  	[tilespmem:s9], [sflag:$0x1] =	stream.indirect.gather [hbm4b:s3+s13], $0x20, s21, s13, $0xb8;
	[tilespmem:$0x14500] =	vst v63  }
0x83: {  	_ =	swait.ge [sflag:s12], $0x3200  }
0x84: {  	[sflag:s12] =	ssyncset.done $0x0  }
0x85: {  	s1 =	rddreg [dreg:$0x10];
	[sflag:s12] =	ssyncadd.s32 $0xFFFFCE00  }
0x86: {  	[hbm4b:s1+s2] =	stream.linear.scatter [tilespmem:s14], [sflag:$0x3], $0x3200, $0x38;
	[tilespmem:$0x14500] =	vst v63  }
0x87: {  	_ =	swait.ge [sflag:s4], $0x3200  }
0x88: {  	[sflag:s4] =	ssyncset.done $0x0  }
0x89: {  	[sflag:s4] =	ssyncadd.s32 $0xFFFFCE00  }
0x8a: {  	[tilespmem:s8], [sflag:$0x2] =	stream.indirect.gather [hbm4b:s3+s13], $0x20, s20, s13, $0xb8;
	[tilespmem:$0x14500] =	vst v63  }
0x8b: {  	_ =	swait.ge [sflag:s10], $0x3200  }
0x8c: {  	[sflag:s10] =	ssyncset.done $0x0  }
0x8d: {  	s1 =	rddreg [dreg:$0x11];
	[sflag:s10] =	ssyncadd.s32 $0xFFFFCE00  }
0x8e: {  	[hbm4b:s1+s2] =	stream.linear.scatter [tilespmem:s11], [sflag:$0x4], $0x3200, $0x38;
	[tilespmem:$0x14500] =	vst v63  }
0x8f: {  	_ =	swait.ge [sflag:s12], $0x3200  }
0x90: {  	[sflag:s12] =	ssyncset.done $0x0  }
0x91: {  	s1 =	rddreg [dreg:$0x12];
	[sflag:s12] =	ssyncadd.s32 $0xFFFFCE00  }
0x92: {  	[hbm4b:s1+s2] =	stream.linear.scatter [tilespmem:s9], [sflag:$0x5], $0x3200, $0x38;
	[tilespmem:$0x14500] =	vst v63  }
0x93: {  	_ =	swait.ge [sflag:s10], $0x3200  }
0x94: {  	[sflag:s10] =	ssyncset.done $0x0  }
0x95: {  	s1 =	rddreg [dreg:$0x13];
	[sflag:s10] =	ssyncadd.s32 $0xFFFFCE00  }
0x96: {  	[hbm4b:s1+s2] =	stream.linear.scatter [tilespmem:s8], [sflag:$0x6], $0x3200, $0x38;
	[tilespmem:$0x14500] =	vst v63  }
0x97: {  	_ =	swait.ge [sflag:s15], $0x3200  }
0x98: {  	[sflag:s15] =	ssyncset.done $0x0  }
0x99: {  	[sflag:s15] =	ssyncadd.s32 $0xFFFFCE00  }
0x9a: {  	_ =	swait.ge [sflag:s16], $0x3200  }
0x9b: {  	[sflag:s16] =	ssyncset.done $0x0  }
0x9c: {  	[sflag:s16] =	ssyncadd.s32 $0xFFFFCE00  }
0x9d: {  	_ =	swait.ge [sflag:s7], $0x3200  }
0x9e: {  	[sflag:s7] =	ssyncset.done $0x0  }
0x9f: {  	[sflag:s7] =	ssyncadd.s32 $0xFFFFCE00  }
0xa0: {  	_ =	swait.ge [sflag:s6], $0x3200  }
0xa1: {  	[sflag:s6] =	ssyncset.done $0x0  }
0xa2: {  	p1 =	sne.s32 s18, $0x1;
	[sflag:s6] =	ssyncadd.s32 $0xFFFFCE00  }
.Ltmp1:
0xa3: {  	_ =	swait.ge [sflag:s5], $0x3200;
	(pc) =	sbr.rel @!p1 .LBB2_3-.Ltmp1, $4  }
0xa4: {  	[sflag:s5] =	ssyncset.done $0x0  }
0xa5: {  	[sflag:s5] =	ssyncadd.s32 $0xFFFFCE00  }
0xa6: {  	p0 =	por $0x1, $0x1;
	_ =	swait.ge [sflag:s4], $0x3200  }
0xa7: {  	s1 =	sadd.s32 $0xFFFFFFFF, s18;
	s0 =	rddreg [dreg:$0x3];
	[sflag:s4] =	ssyncset.done $0x0  }
.LBB2_4:
0xa8: {  	[sflag:s4] =	ssyncadd.s32 $0xFFFFCE00  }
0xa9: {  	[tilespmem:s2], [sflag:$0x9] =	stream.linear.gather [hbm4b:s0+s2], $0x1900, $0x38;
	[tilespmem:$0x14500] =	vst v63  }
0xaa: {  	_ =	swait.ge [sflag:s31], $0x1900  }
0xab: {  	[sflag:s31] =	ssyncset.done $0x0  }
0xac: {  	[sflag:s31] =	ssyncadd.s32 $0xFFFFE700  }
0xad: {  	[tilespmem:s14], [sflag:$0x1] =	stream.indirect.gather [hbm4b:s3+s13], $0x20, s2, s13, $0xb8;
	[tilespmem:$0x14500] =	vst v63  }
0xae: {  	_ = 	snop  }
0xaf: {  	[tilespmem:s11], [sflag:$0x2] =	stream.indirect.gather [hbm4b:s3+s13], $0x20, s13, s13, $0xb8;
	[tilespmem:$0x14500] =	vst v63  }
0xb0: {  	s18 =	rddreg [dreg:$0x14]  }
0xb1: {  	[tilespmem:s9], [sflag:$0x1] =	stream.indirect.gather [hbm4b:s3+s13], $0x20, s18, s13, $0xb8;
	[tilespmem:$0x14500] =	vst v63  }
0xb2: {  	_ =	swait.ge [sflag:s12], $0x3200  }
0xb3: {  	[sflag:s12] =	ssyncset.done $0x0  }
0xb4: {  	s0 =	rddreg [dreg:$0x4];
	[sflag:s12] =	ssyncadd.s32 $0xFFFFCE00  }
0xb5: {  	[hbm4b:s0+s2] =	stream.linear.scatter [tilespmem:s14], [sflag:$0x3], $0x3200, $0x38;
	[tilespmem:$0x14500] =	vst v63  }
0xb6: {  	s18 =	rddreg [dreg:$0x15]  }
0xb7: {  	[tilespmem:s8], [sflag:$0x2] =	stream.indirect.gather [hbm4b:s3+s13], $0x20, s18, s13, $0xb8;
	[tilespmem:$0x14500] =	vst v63  }
0xb8: {  	_ =	swait.ge [sflag:s10], $0x3200  }
0xb9: {  	[sflag:s10] =	ssyncset.done $0x0  }
0xba: {  	s0 =	rddreg [dreg:$0x5];
	[sflag:s10] =	ssyncadd.s32 $0xFFFFCE00  }
0xbb: {  	[hbm4b:s0+s2] =	stream.linear.scatter [tilespmem:s11], [sflag:$0x4], $0x3200, $0x38;
	[tilespmem:$0x14500] =	vst v63  }
0xbc: {  	s18 =	rddreg [dreg:$0x16]  }
0xbd: {  	[tilespmem:s19], [sflag:$0x1] =	stream.indirect.gather [hbm4b:s3+s13], $0x20, s18, s13, $0xb8;
	[tilespmem:$0x14500] =	vst v63  }
0xbe: {  	_ =	swait.ge [sflag:s12], $0x3200  }
0xbf: {  	[sflag:s12] =	ssyncset.done $0x0  }
0xc0: {  	s18 =	rddreg [dreg:$0x6];
	[sflag:s12] =	ssyncadd.s32 $0xFFFFCE00  }
0xc1: {  	[hbm4b:s18+s2] =	stream.linear.scatter [tilespmem:s9], [sflag:$0x5], $0x3200, $0x38;
	[tilespmem:$0x14500] =	vst v63  }
0xc2: {  	s18 =	simm.s32 $0x7D0  }
0xc3: {  	[tilespmem:s17], [sflag:$0x2] =	stream.indirect.gather [hbm4b:s3+s13], $0x20, s18, s13, $0xb8;
	[tilespmem:$0x14500] =	vst v63  }
0xc4: {  	_ =	swait.ge [sflag:s10], $0x3200  }
0xc5: {  	[sflag:s10] =	ssyncset.done $0x0  }
0xc6: {  	s18 =	rddreg [dreg:$0x7];
	[sflag:s10] =	ssyncadd.s32 $0xFFFFCE00  }
0xc7: {  	[hbm4b:s18+s2] =	stream.linear.scatter [tilespmem:s8], [sflag:$0x6], $0x3200, $0x38;
	[tilespmem:$0x14500] =	vst v63  }
0xc8: {  	_ =	swait.ge [sflag:s7], $0x3200  }
0xc9: {  	[sflag:s7] =	ssyncset.done $0x0  }
0xca: {  	[sflag:s7] =	ssyncadd.s32 $0xFFFFCE00  }
0xcb: {  	[tilespmem:s14], [sflag:$0x1] =	stream.indirect.gather [hbm4b:s3+s13], $0x20, s30, s13, $0xb8;
	[tilespmem:$0x14500] =	vst v63  }
0xcc: {  	_ =	swait.ge [sflag:s12], $0x3200  }
0xcd: {  	[sflag:s12] =	ssyncset.done $0x0  }
0xce: {  	s18 =	rddreg [dreg:$0x8];
	[sflag:s12] =	ssyncadd.s32 $0xFFFFCE00  }
0xcf: {  	[hbm4b:s18+s2] =	stream.linear.scatter [tilespmem:s19], [sflag:$0x7], $0x3200, $0x38;
	[tilespmem:$0x14500] =	vst v63  }
0xd0: {  	_ =	swait.ge [sflag:s6], $0x3200  }
0xd1: {  	[sflag:s6] =	ssyncset.done $0x0  }
0xd2: {  	[sflag:s6] =	ssyncadd.s32 $0xFFFFCE00  }
0xd3: {  	[tilespmem:s11], [sflag:$0x2] =	stream.indirect.gather [hbm4b:s3+s13], $0x20, s29, s13, $0xb8;
	[tilespmem:$0x14500] =	vst v63  }
0xd4: {  	_ =	swait.ge [sflag:s10], $0x3200  }
0xd5: {  	[sflag:s10] =	ssyncset.done $0x0  }
0xd6: {  	s18 =	rddreg [dreg:$0x9];
	[sflag:s10] =	ssyncadd.s32 $0xFFFFCE00  }
0xd7: {  	[hbm4b:s18+s2] =	stream.linear.scatter [tilespmem:s17], [sflag:$0x8], $0x3200, $0x38;
	[tilespmem:$0x14500] =	vst v63  }
0xd8: {  	_ =	swait.ge [sflag:s5], $0x3200  }
0xd9: {  	[sflag:s5] =	ssyncset.done $0x0  }
0xda: {  	[sflag:s5] =	ssyncadd.s32 $0xFFFFCE00  }
0xdb: {  	[tilespmem:s9], [sflag:$0x1] =	stream.indirect.gather [hbm4b:s3+s13], $0x20, s28, s13, $0xb8;
	[tilespmem:$0x14500] =	vst v63  }
0xdc: {  	_ =	swait.ge [sflag:s12], $0x3200  }
0xdd: {  	[sflag:s12] =	ssyncset.done $0x0  }
0xde: {  	s18 =	rddreg [dreg:$0xa];
	[sflag:s12] =	ssyncadd.s32 $0xFFFFCE00  }
0xdf: {  	[hbm4b:s18+s2] =	stream.linear.scatter [tilespmem:s14], [sflag:$0x3], $0x3200, $0x38;
	[tilespmem:$0x14500] =	vst v63  }
0xe0: {  	_ =	swait.ge [sflag:s4], $0x3200  }
0xe1: {  	[sflag:s4] =	ssyncset.done $0x0  }
0xe2: {  	[sflag:s4] =	ssyncadd.s32 $0xFFFFCE00  }
0xe3: {  	[tilespmem:s8], [sflag:$0x2] =	stream.indirect.gather [hbm4b:s3+s13], $0x20, s26, s13, $0xb8;
	[tilespmem:$0x14500] =	vst v63  }
0xe4: {  	_ =	swait.ge [sflag:s10], $0x3200  }
0xe5: {  	[sflag:s10] =	ssyncset.done $0x0  }
0xe6: {  	s18 =	rddreg [dreg:$0xb];
	[sflag:s10] =	ssyncadd.s32 $0xFFFFCE00  }
0xe7: {  	[hbm4b:s18+s2] =	stream.linear.scatter [tilespmem:s11], [sflag:$0x4], $0x3200, $0x38;
	[tilespmem:$0x14500] =	vst v63  }
0xe8: {  	_ =	swait.ge [sflag:s15], $0x3200  }
0xe9: {  	[sflag:s15] =	ssyncset.done $0x0  }
0xea: {  	[sflag:s15] =	ssyncadd.s32 $0xFFFFCE00  }
0xeb: {  	[tilespmem:s19], [sflag:$0x1] =	stream.indirect.gather [hbm4b:s3+s13], $0x20, s25, s13, $0xb8;
	[tilespmem:$0x14500] =	vst v63  }
0xec: {  	_ =	swait.ge [sflag:s12], $0x3200  }
0xed: {  	[sflag:s12] =	ssyncset.done $0x0  }
0xee: {  	s18 =	rddreg [dreg:$0xc];
	[sflag:s12] =	ssyncadd.s32 $0xFFFFCE00  }
0xef: {  	[hbm4b:s18+s2] =	stream.linear.scatter [tilespmem:s9], [sflag:$0x5], $0x3200, $0x38;
	[tilespmem:$0x14500] =	vst v63  }
0xf0: {  	_ =	swait.ge [sflag:s16], $0x3200  }
0xf1: {  	[sflag:s16] =	ssyncset.done $0x0  }
0xf2: {  	[sflag:s16] =	ssyncadd.s32 $0xFFFFCE00  }
0xf3: {  	[tilespmem:s17], [sflag:$0x2] =	stream.indirect.gather [hbm4b:s3+s13], $0x20, s24, s13, $0xb8;
	[tilespmem:$0x14500] =	vst v63  }
0xf4: {  	_ =	swait.ge [sflag:s10], $0x3200  }
0xf5: {  	[sflag:s10] =	ssyncset.done $0x0  }
0xf6: {  	s18 =	rddreg [dreg:$0xd];
	[sflag:s10] =	ssyncadd.s32 $0xFFFFCE00  }
0xf7: {  	[hbm4b:s18+s2] =	stream.linear.scatter [tilespmem:s8], [sflag:$0x6], $0x3200, $0x38;
	[tilespmem:$0x14500] =	vst v63  }
0xf8: {  	_ =	swait.ge [sflag:s7], $0x3200  }
0xf9: {  	[sflag:s7] =	ssyncset.done $0x0  }
0xfa: {  	[sflag:s7] =	ssyncadd.s32 $0xFFFFCE00  }
0xfb: {  	[tilespmem:s14], [sflag:$0x1] =	stream.indirect.gather [hbm4b:s3+s13], $0x20, s23, s13, $0xb8;
	[tilespmem:$0x14500] =	vst v63  }
0xfc: {  	_ =	swait.ge [sflag:s12], $0x3200  }
0xfd: {  	[sflag:s12] =	ssyncset.done $0x0  }
0xfe: {  	s18 =	rddreg [dreg:$0xe];
	[sflag:s12] =	ssyncadd.s32 $0xFFFFCE00  }
0xff: {  	[hbm4b:s18+s2] =	stream.linear.scatter [tilespmem:s19], [sflag:$0x7], $0x3200, $0x38;
	[tilespmem:$0x14500] =	vst v63  }
0x100: {  	_ =	swait.ge [sflag:s6], $0x3200  }
0x101: {  	[sflag:s6] =	ssyncset.done $0x0  }
0x102: {  	[sflag:s6] =	ssyncadd.s32 $0xFFFFCE00  }
0x103: {  	[tilespmem:s11], [sflag:$0x2] =	stream.indirect.gather [hbm4b:s3+s13], $0x20, s22, s13, $0xb8;
	[tilespmem:$0x14500] =	vst v63  }
0x104: {  	_ =	swait.ge [sflag:s10], $0x3200  }
0x105: {  	[sflag:s10] =	ssyncset.done $0x0  }
0x106: {  	s18 =	rddreg [dreg:$0xf];
	[sflag:s10] =	ssyncadd.s32 $0xFFFFCE00  }
0x107: {  	[hbm4b:s18+s2] =	stream.linear.scatter [tilespmem:s17], [sflag:$0x8], $0x3200, $0x38;
	[tilespmem:$0x14500] =	vst v63  }
0x108: {  	_ =	swait.ge [sflag:s5], $0x3200  }
0x109: {  	[sflag:s5] =	ssyncset.done $0x0  }
0x10a: {  	[sflag:s5] =	ssyncadd.s32 $0xFFFFCE00  }
0x10b: {  	[tilespmem:s9], [sflag:$0x1] =	stream.indirect.gather [hbm4b:s3+s13], $0x20, s21, s13, $0xb8;
	[tilespmem:$0x14500] =	vst v63  }
0x10c: {  	_ =	swait.ge [sflag:s12], $0x3200  }
0x10d: {  	[sflag:s12] =	ssyncset.done $0x0  }
0x10e: {  	s18 =	rddreg [dreg:$0x10];
	[sflag:s12] =	ssyncadd.s32 $0xFFFFCE00  }
0x10f: {  	[hbm4b:s18+s2] =	stream.linear.scatter [tilespmem:s14], [sflag:$0x3], $0x3200, $0x38;
	[tilespmem:$0x14500] =	vst v63  }
0x110: {  	_ =	swait.ge [sflag:s4], $0x3200  }
0x111: {  	[sflag:s4] =	ssyncset.done $0x0  }
0x112: {  	[sflag:s4] =	ssyncadd.s32 $0xFFFFCE00  }
0x113: {  	[tilespmem:s8], [sflag:$0x2] =	stream.indirect.gather [hbm4b:s3+s13], $0x20, s20, s13, $0xb8;
	[tilespmem:$0x14500] =	vst v63  }
0x114: {  	_ =	swait.ge [sflag:s10], $0x3200  }
0x115: {  	[sflag:s10] =	ssyncset.done $0x0  }
0x116: {  	s18 =	rddreg [dreg:$0x11];
	[sflag:s10] =	ssyncadd.s32 $0xFFFFCE00  }
0x117: {  	[hbm4b:s18+s2] =	stream.linear.scatter [tilespmem:s11], [sflag:$0x4], $0x3200, $0x38;
	[tilespmem:$0x14500] =	vst v63  }
0x118: {  	_ =	swait.ge [sflag:s12], $0x3200  }
0x119: {  	[sflag:s12] =	ssyncset.done $0x0  }
0x11a: {  	s18 =	rddreg [dreg:$0x12];
	[sflag:s12] =	ssyncadd.s32 $0xFFFFCE00  }
0x11b: {  	[hbm4b:s18+s2] =	stream.linear.scatter [tilespmem:s9], [sflag:$0x5], $0x3200, $0x38;
	[tilespmem:$0x14500] =	vst v63  }
0x11c: {  	_ =	swait.ge [sflag:s10], $0x3200  }
0x11d: {  	[sflag:s10] =	ssyncset.done $0x0  }
0x11e: {  	s18 =	rddreg [dreg:$0x13];
	[sflag:s10] =	ssyncadd.s32 $0xFFFFCE00  }
0x11f: {  	[hbm4b:s18+s2] =	stream.linear.scatter [tilespmem:s8], [sflag:$0x6], $0x3200, $0x38;
	[tilespmem:$0x14500] =	vst v63  }
0x120: {  	_ =	swait.ge [sflag:s15], $0x3200  }
0x121: {  	[sflag:s15] =	ssyncset.done $0x0  }
0x122: {  	[sflag:s15] =	ssyncadd.s32 $0xFFFFCE00  }
0x123: {  	_ =	swait.ge [sflag:s16], $0x3200  }
0x124: {  	[sflag:s16] =	ssyncset.done $0x0  }
0x125: {  	[sflag:s16] =	ssyncadd.s32 $0xFFFFCE00  }
0x126: {  	_ =	swait.ge [sflag:s7], $0x3200  }
0x127: {  	[sflag:s7] =	ssyncset.done $0x0  }
0x128: {  	[sflag:s7] =	ssyncadd.s32 $0xFFFFCE00  }
0x129: {  	_ =	swait.ge [sflag:s6], $0x3200  }
0x12a: {  	[sflag:s6] =	ssyncset.done $0x0  }
0x12b: {  	p1 =	sne.s32 s1, $0x1;
	[sflag:s6] =	ssyncadd.s32 $0xFFFFCE00  }
.Ltmp2:
0x12c: {  	_ =	swait.ge [sflag:s5], $0x3200;
	(pc) =	sbr.rel @p1 .LBB2_4-.Ltmp2, $4  }
0x12d: {  	[sflag:s5] =	ssyncset.done $0x0  }
0x12e: {  	[sflag:s5] =	ssyncadd.s32 $0xFFFFCE00  }
0x12f: {  	_ =	swait.ge [sflag:s4], $0x3200  }
0x130: {  	s1 =	sadd.s32 $0xFFFFFFFF, s1;
	s0 =	rddreg [dreg:$0x3];
	[sflag:s4] =	ssyncset.done $0x0  }
0x131: {  	s20 =	simm.s32 $0x7D0;
	s30 =	simm.s32 $0x960  }
0x132: {  	s29 =	simm.s32 $0xAF0;
	s28 =	simm.s32 $0xC80;
	s26 =	simm.s32 $0xE10  }
0x133: {  	s25 =	simm.s32 $0xFA0;
	s24 =	simm.s32 $0x1130;
	s23 =	simm.s32 $0x12C0  }
0x134: {  	s22 =	simm.s32 $0x1450;
	s21 =	simm.s32 $0x15E0;
	s18 =	stileid.u32  }
.LBB2_6:
0x135: {  	[sflag:s4] =	ssyncadd.s32 @p0 $0xFFFFCE00  }
0x136: {  	[tilespmem:s2], [sflag:$0x9] =	stream.linear.gather [hbm4b:s0+s2], $0x1900, $0x38;
	[tilespmem:$0x14500] =	vst v63  }
0x137: {  	_ =	swait.ge [sflag:s31], $0x1900  }
0x138: {  	[sflag:s31] =	ssyncset.done $0x0  }
0x139: {  	[sflag:s31] =	ssyncadd.s32 $0xFFFFE700  }
0x13a: {  	[tilespmem:s14], [sflag:$0x1] =	stream.indirect.gather [hbm4b:s3+s13], $0x20, s2, s13, $0xb8;
	[tilespmem:$0x14500] =	vst v63  }
0x13b: {  	_ = 	snop  }
0x13c: {  	[tilespmem:s11], [sflag:$0x2] =	stream.indirect.gather [hbm4b:s3+s13], $0x20, s13, s13, $0xb8;
	[tilespmem:$0x14500] =	vst v63  }
0x13d: {  	s1 =	rddreg [dreg:$0x14]  }
0x13e: {  	[tilespmem:s9], [sflag:$0x1] =	stream.indirect.gather [hbm4b:s3+s13], $0x20, s1, s13, $0xb8;
	[tilespmem:$0x14500] =	vst v63  }
0x13f: {  	_ =	swait.ge [sflag:s12], $0x3200  }
0x140: {  	[sflag:s12] =	ssyncset.done $0x0  }
0x141: {  	s31 =	rddreg [dreg:$0x4];
	[sflag:s12] =	ssyncadd.s32 $0xFFFFCE00  }
0x142: {  	[hbm4b:s31+s2] =	stream.linear.scatter [tilespmem:s14], [sflag:$0x3], $0x3200, $0x38;
	[tilespmem:$0x14500] =	vst v63  }
0x143: {  	s1 =	rddreg [dreg:$0x15]  }
0x144: {  	[tilespmem:s8], [sflag:$0x2] =	stream.indirect.gather [hbm4b:s3+s13], $0x20, s1, s13, $0xb8;
	[tilespmem:$0x14500] =	vst v63  }
0x145: {  	_ =	swait.ge [sflag:s10], $0x3200  }
0x146: {  	[sflag:s10] =	ssyncset.done $0x0  }
0x147: {  	s1 =	rddreg [dreg:$0x5];
	[sflag:s10] =	ssyncadd.s32 $0xFFFFCE00  }
0x148: {  	[hbm4b:s1+s2] =	stream.linear.scatter [tilespmem:s11], [sflag:$0x4], $0x3200, $0x38;
	[tilespmem:$0x14500] =	vst v63  }
0x149: {  	s31 =	rddreg [dreg:$0x16]  }
0x14a: {  	[tilespmem:s19], [sflag:$0x1] =	stream.indirect.gather [hbm4b:s3+s13], $0x20, s31, s13, $0xb8;
	[tilespmem:$0x14500] =	vst v63  }
0x14b: {  	_ =	swait.ge [sflag:s12], $0x3200  }
0x14c: {  	[sflag:s12] =	ssyncset.done $0x0  }
0x14d: {  	s31 =	rddreg [dreg:$0x6];
	[sflag:s12] =	ssyncadd.s32 $0xFFFFCE00  }
0x14e: {  	[hbm4b:s31+s2] =	stream.linear.scatter [tilespmem:s9], [sflag:$0x5], $0x3200, $0x38;
	[tilespmem:$0x14500] =	vst v63  }
0x14f: {  	_ = 	snop  }
0x150: {  	[tilespmem:s17], [sflag:$0x2] =	stream.indirect.gather [hbm4b:s3+s13], $0x20, s20, s13, $0xb8;
	[tilespmem:$0x14500] =	vst v63  }
0x151: {  	_ =	swait.ge [sflag:s10], $0x3200  }
0x152: {  	[sflag:s10] =	ssyncset.done $0x0  }
0x153: {  	s1 =	rddreg [dreg:$0x7];
	[sflag:s10] =	ssyncadd.s32 $0xFFFFCE00  }
0x154: {  	[hbm4b:s1+s2] =	stream.linear.scatter [tilespmem:s8], [sflag:$0x6], $0x3200, $0x38;
	[tilespmem:$0x14500] =	vst v63  }
0x155: {  	_ =	swait.ge [sflag:s7], $0x3200  }
0x156: {  	[sflag:s7] =	ssyncset.done $0x0  }
0x157: {  	[sflag:s7] =	ssyncadd.s32 $0xFFFFCE00  }
0x158: {  	[tilespmem:s14], [sflag:$0x1] =	stream.indirect.gather [hbm4b:s3+s13], $0x20, s30, s13, $0xb8;
	[tilespmem:$0x14500] =	vst v63  }
0x159: {  	_ =	swait.ge [sflag:s12], $0x3200  }
0x15a: {  	[sflag:s12] =	ssyncset.done $0x0  }
0x15b: {  	s20 =	rddreg [dreg:$0x8];
	[sflag:s12] =	ssyncadd.s32 $0xFFFFCE00  }
0x15c: {  	[hbm4b:s20+s2] =	stream.linear.scatter [tilespmem:s19], [sflag:$0x7], $0x3200, $0x38;
	[tilespmem:$0x14500] =	vst v63  }
0x15d: {  	_ =	swait.ge [sflag:s6], $0x3200  }
0x15e: {  	[sflag:s6] =	ssyncset.done $0x0  }
0x15f: {  	[sflag:s6] =	ssyncadd.s32 $0xFFFFCE00  }
0x160: {  	[tilespmem:s11], [sflag:$0x2] =	stream.indirect.gather [hbm4b:s3+s13], $0x20, s29, s13, $0xb8;
	[tilespmem:$0x14500] =	vst v63  }
0x161: {  	_ =	swait.ge [sflag:s10], $0x3200  }
0x162: {  	[sflag:s10] =	ssyncset.done $0x0  }
0x163: {  	s29 =	rddreg [dreg:$0x9];
	[sflag:s10] =	ssyncadd.s32 $0xFFFFCE00  }
0x164: {  	[hbm4b:s29+s2] =	stream.linear.scatter [tilespmem:s17], [sflag:$0x8], $0x3200, $0x38;
	[tilespmem:$0x14500] =	vst v63  }
0x165: {  	_ =	swait.ge [sflag:s5], $0x3200  }
0x166: {  	[sflag:s5] =	ssyncset.done $0x0  }
0x167: {  	[sflag:s5] =	ssyncadd.s32 $0xFFFFCE00  }
0x168: {  	[tilespmem:s9], [sflag:$0x1] =	stream.indirect.gather [hbm4b:s3+s13], $0x20, s28, s13, $0xb8;
	[tilespmem:$0x14500] =	vst v63  }
0x169: {  	_ =	swait.ge [sflag:s12], $0x3200  }
0x16a: {  	[sflag:s12] =	ssyncset.done $0x0  }
0x16b: {  	s30 =	rddreg [dreg:$0xa];
	[sflag:s12] =	ssyncadd.s32 $0xFFFFCE00  }
0x16c: {  	[hbm4b:s30+s2] =	stream.linear.scatter [tilespmem:s14], [sflag:$0x3], $0x3200, $0x38;
	[tilespmem:$0x14500] =	vst v63  }
0x16d: {  	_ =	swait.ge [sflag:s4], $0x3200  }
0x16e: {  	[sflag:s4] =	ssyncset.done $0x0  }
0x16f: {  	[sflag:s4] =	ssyncadd.s32 $0xFFFFCE00  }
0x170: {  	[tilespmem:s8], [sflag:$0x2] =	stream.indirect.gather [hbm4b:s3+s13], $0x20, s26, s13, $0xb8;
	[tilespmem:$0x14500] =	vst v63  }
0x171: {  	_ =	swait.ge [sflag:s10], $0x3200  }
0x172: {  	[sflag:s10] =	ssyncset.done $0x0  }
0x173: {  	s31 =	rddreg [dreg:$0xb];
	[sflag:s10] =	ssyncadd.s32 $0xFFFFCE00  }
0x174: {  	[hbm4b:s31+s2] =	stream.linear.scatter [tilespmem:s11], [sflag:$0x4], $0x3200, $0x38;
	[tilespmem:$0x14500] =	vst v63  }
0x175: {  	_ =	swait.ge [sflag:s15], $0x3200  }
0x176: {  	[sflag:s15] =	ssyncset.done $0x0  }
0x177: {  	[sflag:s15] =	ssyncadd.s32 $0xFFFFCE00  }
0x178: {  	[tilespmem:s19], [sflag:$0x1] =	stream.indirect.gather [hbm4b:s3+s13], $0x20, s25, s13, $0xb8;
	[tilespmem:$0x14500] =	vst v63  }
0x179: {  	_ =	swait.ge [sflag:s12], $0x3200  }
0x17a: {  	[sflag:s12] =	ssyncset.done $0x0  }
0x17b: {  	s1 =	rddreg [dreg:$0xc];
	[sflag:s12] =	ssyncadd.s32 $0xFFFFCE00  }
0x17c: {  	[hbm4b:s1+s2] =	stream.linear.scatter [tilespmem:s9], [sflag:$0x5], $0x3200, $0x38;
	[tilespmem:$0x14500] =	vst v63  }
0x17d: {  	_ =	swait.ge [sflag:s16], $0x3200  }
0x17e: {  	[sflag:s16] =	ssyncset.done $0x0  }
0x17f: {  	[sflag:s16] =	ssyncadd.s32 $0xFFFFCE00  }
0x180: {  	[tilespmem:s17], [sflag:$0x2] =	stream.indirect.gather [hbm4b:s3+s13], $0x20, s24, s13, $0xb8;
	[tilespmem:$0x14500] =	vst v63  }
0x181: {  	_ =	swait.ge [sflag:s10], $0x3200  }
0x182: {  	[sflag:s10] =	ssyncset.done $0x0  }
0x183: {  	s20 =	rddreg [dreg:$0xd];
	[sflag:s10] =	ssyncadd.s32 $0xFFFFCE00  }
0x184: {  	[hbm4b:s20+s2] =	stream.linear.scatter [tilespmem:s8], [sflag:$0x6], $0x3200, $0x38;
	[tilespmem:$0x14500] =	vst v63  }
0x185: {  	_ =	swait.ge [sflag:s7], $0x3200  }
0x186: {  	[sflag:s7] =	ssyncset.done $0x0  }
0x187: {  	[sflag:s7] =	ssyncadd.s32 $0xFFFFCE00  }
0x188: {  	[tilespmem:s14], [sflag:$0x1] =	stream.indirect.gather [hbm4b:s3+s13], $0x20, s23, s13, $0xb8;
	[tilespmem:$0x14500] =	vst v63  }
0x189: {  	_ =	swait.ge [sflag:s12], $0x3200  }
0x18a: {  	[sflag:s12] =	ssyncset.done $0x0  }
0x18b: {  	s24 =	rddreg [dreg:$0xe];
	[sflag:s12] =	ssyncadd.s32 $0xFFFFCE00  }
0x18c: {  	[hbm4b:s24+s2] =	stream.linear.scatter [tilespmem:s19], [sflag:$0x7], $0x3200, $0x38;
	[tilespmem:$0x14500] =	vst v63  }
0x18d: {  	_ =	swait.ge [sflag:s6], $0x3200  }
0x18e: {  	[sflag:s6] =	ssyncset.done $0x0  }
0x18f: {  	[sflag:s6] =	ssyncadd.s32 $0xFFFFCE00  }
0x190: {  	[tilespmem:s11], [sflag:$0x2] =	stream.indirect.gather [hbm4b:s3+s13], $0x20, s22, s13, $0xb8;
	[tilespmem:$0x14500] =	vst v63  }
0x191: {  	_ =	swait.ge [sflag:s10], $0x3200  }
0x192: {  	[sflag:s10] =	ssyncset.done $0x0  }
0x193: {  	s25 =	rddreg [dreg:$0xf];
	[sflag:s10] =	ssyncadd.s32 $0xFFFFCE00  }
0x194: {  	[hbm4b:s25+s2] =	stream.linear.scatter [tilespmem:s17], [sflag:$0x8], $0x3200, $0x38;
	[tilespmem:$0x14500] =	vst v63  }
0x195: {  	_ =	swait.ge [sflag:s5], $0x3200  }
0x196: {  	[sflag:s5] =	ssyncset.done $0x0  }
0x197: {  	[sflag:s5] =	ssyncadd.s32 $0xFFFFCE00  }
0x198: {  	[tilespmem:s9], [sflag:$0x1] =	stream.indirect.gather [hbm4b:s3+s13], $0x20, s21, s13, $0xb8;
	[tilespmem:$0x14500] =	vst v63  }
0x199: {  	_ =	swait.ge [sflag:s12], $0x3200  }
0x19a: {  	[sflag:s12] =	ssyncset.done $0x0  }
0x19b: {  	s26 =	rddreg [dreg:$0x10];
	[sflag:s12] =	ssyncadd.s32 $0xFFFFCE00  }
0x19c: {  	[hbm4b:s26+s2] =	stream.linear.scatter [tilespmem:s14], [sflag:$0x3], $0x3200, $0x38;
	[tilespmem:$0x14500] =	vst v63  }
0x19d: {  	_ =	swait.ge [sflag:s4], $0x3200  }
0x19e: {  	[sflag:s4] =	ssyncset.done $0x0  }
0x19f: {  	s28 =	simm.s32 $0x1770;
	[sflag:s4] =	ssyncadd.s32 $0xFFFFCE00  }
0x1a0: {  	[tilespmem:s8], [sflag:$0x2] =	stream.indirect.gather [hbm4b:s3+s13], $0x20, s28, s13, $0xb8;
	[tilespmem:$0x14500] =	vst v63  }
0x1a1: {  	_ =	swait.ge [sflag:s10], $0x3200  }
0x1a2: {  	[sflag:s10] =	ssyncset.done $0x0  }
0x1a3: {  	s29 =	rddreg [dreg:$0x11];
	[sflag:s10] =	ssyncadd.s32 $0xFFFFCE00  }
0x1a4: {  	[hbm4b:s29+s2] =	stream.linear.scatter [tilespmem:s11], [sflag:$0x4], $0x3200, $0x38;
	[tilespmem:$0x14500] =	vst v63  }
0x1a5: {  	_ =	swait.ge [sflag:s12], $0x3200  }
0x1a6: {  	[sflag:s12] =	ssyncset.done $0x0  }
0x1a7: {  	s30 =	rddreg [dreg:$0x12];
	[sflag:s12] =	ssyncadd.s32 $0xFFFFCE00  }
0x1a8: {  	[hbm4b:s30+s2] =	stream.linear.scatter [tilespmem:s9], [sflag:$0x5], $0x3200, $0x38;
	[tilespmem:$0x14500] =	vst v63  }
0x1a9: {  	_ =	swait.ge [sflag:s10], $0x3200  }
0x1aa: {  	[sflag:s10] =	ssyncset.done $0x0  }
0x1ab: {  	s31 =	rddreg [dreg:$0x13];
	[sflag:s10] =	ssyncadd.s32 $0xFFFFCE00  }
0x1ac: {  	[hbm4b:s31+s2] =	stream.linear.scatter [tilespmem:s8], [sflag:$0x6], $0x3200, $0x38;
	[tilespmem:$0x14500] =	vst v63  }
0x1ad: {  	_ =	swait.ge [sflag:s15], $0x3200  }
0x1ae: {  	[sflag:s15] =	ssyncset.done $0x0  }
0x1af: {  	[sflag:s15] =	ssyncadd.s32 $0xFFFFCE00  }
0x1b0: {  	_ =	swait.ge [sflag:s16], $0x3200  }
0x1b1: {  	[sflag:s16] =	ssyncset.done $0x0  }
0x1b2: {  	[sflag:s16] =	ssyncadd.s32 $0xFFFFCE00  }
0x1b3: {  	_ =	swait.ge [sflag:s7], $0x3200  }
0x1b4: {  	[sflag:s7] =	ssyncset.done $0x0  }
0x1b5: {  	[sflag:s7] =	ssyncadd.s32 $0xFFFFCE00  }
0x1b6: {  	_ =	swait.ge [sflag:s6], $0x3200  }
0x1b7: {  	[sflag:s6] =	ssyncset.done $0x0  }
0x1b8: {  	[sflag:s6] =	ssyncadd.s32 $0xFFFFCE00  }
0x1b9: {  	_ =	swait.ge [sflag:s5], $0x3200  }
0x1ba: {  	[sflag:s5] =	ssyncset.done $0x0  }
0x1bb: {  	[sflag:s5] =	ssyncadd.s32 $0xFFFFCE00  }
0x1bc: {  	_ =	swait.ge [sflag:s4], $0x3200  }
0x1bd: {  	[sflag:s4] =	ssyncset.done $0x0  }
0x1be: {  	[sflag:s4] =	ssyncadd.s32 $0xFFFFCE00  }
0x1bf: {  	_ =	sfence.sel $0x180000  }
0x1c0: {  	[bflag:$0x0] =	sbarrier.arrive $0xFFFF  }
0x1c1: {  	_ =	strace $0x90000047  }
0x1c2: {  	[bflag:$0x2] =	sbarrier.arrive $0xFFFF  }
0x1c3: {  	p0 =	sne.s32 s18, $0x0;
	s0 =	rddreg [dreg:$0x2]  }
0x1c4: {  	s0 =	sadd.s32 @!p0 $0x100000, s0  }
0x1c5: {  	[sflag:s0] =	ssyncadd.tile.s32 @!p0 $0x1;
	_ =	shalt  }
.LBB2_1:
.Ltmp3:
0x1c6: {  	(pc) =	sbr.rel .LBB2_6-.Ltmp3, $4  }
0x1c7: {  	s20 =	simm.s32 $0x7D0  }
0x1c8: {  	s30 =	simm.s32 $0x960;
	s29 =	simm.s32 $0xAF0;
	s28 =	simm.s32 $0xC80  }
0x1c9: {  	s26 =	simm.s32 $0xE10;
	s25 =	simm.s32 $0xFA0;
	s24 =	simm.s32 $0x1130  }
0x1ca: {  	s23 =	simm.s32 $0x12C0;
	s22 =	simm.s32 $0x1450;
	s21 =	simm.s32 $0x15E0  }
.LBB2_3:
.Ltmp4:
0x1cb: {  	(pc) =	sbr.rel .LBB2_6-.Ltmp4, $4  }
0x1cc: {  	s20 =	simm.s32 $0x7D0;
	s30 =	simm.s32 $0x960  }
0x1cd: {  	s29 =	simm.s32 $0xAF0;
	s28 =	simm.s32 $0xC80;
	s26 =	simm.s32 $0xE10  }
0x1ce: {  	s25 =	simm.s32 $0xFA0;
	s24 =	simm.s32 $0x1130;
	s23 =	simm.s32 $0x12C0  }
0x1cf: {  	s22 =	simm.s32 $0x1450;
	s21 =	simm.s32 $0x15E0;
	s18 =	stileid.u32  }
.Lfunc_end2:
_tile_overlayer_lowered:
.L_overlay_start_2:
0x1d0: {  	(tag) =	ssettag $0x2  }
0x1d1: {  	s0 =	rddreg [dreg:$0x0];
	s2 =	stileid.u32  }
0x1d2: {  	s1 =	rddreg [dreg:$0x1];
	p0 =	sne.s32 s2, $0x0  }
0x1d3: {  	s3 =	rddreg [dreg:$0x2];
	[bflag:$0x3] =	sbarrier.arrive $0xFFFF;
	s2 =	simm.s32 @!p0 $0x1C09  }
0x1d4: {  	[timem:s3], [sflag:s2] =	dma.local @!p0 [hbm:s0], s1  }
0x1d5: {  	s0 =	simm.s32 @!p0 $0x9  }
0x1d6: {  	_ =	swait.ge @!p0 [sflag:s0], s1  }
0x1d7: {  	s1 =	ssub.s32 @!p0 $0x0, s1;
	[sflag:s0] =	ssyncset.done @!p0 $0x0  }
0x1d8: {  	[sflag:s0] =	ssyncadd.s32 @!p0 s1  }
0x1d9: {  	[bflag:$0x3] =	sbarrier.arrive $0xFFFF  }
0x1da: {  	_ =	shalt  }

</sc_bundles>
